<compile_context>
chip_gen: v7x
topology: tpu7x:2x2x1
jax: 0.10.2.dev20260603
libtpu: 0.0.44.dev20260713+nightly
codegen_flags: <defaults>
</compile_context>

<pallas_src>
import functools

import jax
import jax.numpy as jnp
from jax import lax
from jax.experimental import pallas as pl
from jax.experimental.pallas import tpu as pltpu
from jax.experimental.pallas import tpu_sc as plsc

_NP = 10240
_D = 128
_HD = _D // 2
_NC = 2
_NS = 16
_NW = _NC * _NS
_CHUNK = 128
_BLK = 256



def _make_propagate(nc_a, nc_b):
    nchunk = max(nc_a, nc_b)
    mesh = plsc.VectorSubcoreMesh(core_axis_name="c", subcore_axis_name="s")

    @functools.partial(
        pl.kernel,
        mesh=mesh,
        out_type=jax.ShapeDtypeStruct((_NC, _NP, _D), jnp.float32),
        scratch_types=[
            pltpu.VMEM((nchunk, _CHUNK), jnp.int32),
            pltpu.VMEM((nchunk, _CHUNK), jnp.int32),
            pltpu.VMEM((_CHUNK, _D), jnp.float32),
            pltpu.VMEM_SHARED((_NP, _D), jnp.float32),
            pltpu.SemaphoreType.DMA,
        ],
    )
    def prop(feat_hbm, src_hbm, dst_hbm, out_hbm, src_v, dst_v, rows_v, acc,
             sem):
        c = lax.axis_index("c")
        s = lax.axis_index("s")
        wid = s * _NC + c
        nc_w = jnp.where(c == 0, nc_a, nc_b)
        zero = jnp.zeros((16,), jnp.float32)

        def zrow(i, _):
            for k in range(_D // 16):
                rows_v[i, pl.ds(k * 16, 16)] = zero
            return 0

        lax.fori_loop(0, _CHUNK, zrow, 0)
        rpt = _NP // _NS
        nb = rpt // _CHUNK

        def zacc(k, _):
            pltpu.sync_copy(rows_v, acc.at[pl.ds(s * rpt + k * _CHUNK, _CHUNK)])
            return 0

        lax.fori_loop(0, nb, zacc, 0)
        pltpu.sync_copy(src_hbm.at[wid], src_v)
        pltpu.sync_copy(dst_hbm.at[wid], dst_v)
        plsc.subcore_barrier()

        def body(j, _):
            pltpu.async_copy(feat_hbm.at[src_v.at[j]], rows_v, sem).wait()
            pltpu.sync_copy(rows_v, acc.at[dst_v.at[j]], add=True)
            return 0

        lax.fori_loop(0, nc_w, body, 0)
        plsc.subcore_barrier()

        def wb(k, _):
            r0 = s * rpt + k * _CHUNK
            pltpu.sync_copy(acc.at[pl.ds(r0, _CHUNK)], rows_v)
            pltpu.sync_copy(rows_v, out_hbm.at[c, pl.ds(r0, _CHUNK)])
            return 0

        lax.fori_loop(0, nb, wb, 0)

    return prop


def _make_deg(nchunk):
    mesh = plsc.VectorSubcoreMesh(core_axis_name="c", subcore_axis_name="s")
    npt = _NP // _NS

    @functools.partial(
        pl.kernel,
        mesh=mesh,
        out_type=jax.ShapeDtypeStruct((_NC, _NP), jnp.float32),
        scratch_types=[
            pltpu.VMEM((nchunk, _CHUNK), jnp.int32),
            pltpu.VMEM((_CHUNK,), jnp.float32),
            pltpu.VMEM((npt,), jnp.float32),
            pltpu.VMEM_SHARED((_NP,), jnp.float32),
        ],
    )
    def degk(dst_hbm, out_hbm, dst_v, ones_v, wb_v, acc):
        c = lax.axis_index("c")
        s = lax.axis_index("s")
        wid = s * _NC + c
        zero = jnp.zeros((16,), jnp.float32)
        for k in range(_CHUNK // 16):
            ones_v[pl.ds(k * 16, 16)] = zero

        def zacc(k, _):
            pltpu.sync_copy(ones_v.at[pl.ds(0, 32)],
                            acc.at[pl.ds(s * npt + k * 32, 32)])
            return 0

        lax.fori_loop(0, npt // 32, zacc, 0)
        one = jnp.ones((16,), jnp.float32)
        for k in range(_CHUNK // 16):
            ones_v[pl.ds(k * 16, 16)] = one
        pltpu.sync_copy(dst_hbm.at[wid], dst_v)
        plsc.subcore_barrier()

        def body(j, _):
            pltpu.sync_copy(ones_v, acc.at[dst_v.at[j]], add=True)
            return 0

        lax.fori_loop(0, nchunk, body, 0)
        plsc.subcore_barrier()
        pltpu.sync_copy(acc.at[pl.ds(s * npt, npt)], wb_v)
        pltpu.sync_copy(wb_v, out_hbm.at[c, pl.ds(s * npt, npt)])

    return degk



def _s1_body(deg_ref, x_ref, dis_ref, xs_ref):
    d = deg_ref[0] + deg_ref[1] + 1.0
    dis = lax.rsqrt(d)
    dis_ref[...] = dis
    xs_ref[...] = x_ref[...] * dis


def _stage1(deg2, x_pad):
    return pl.pallas_call(
        _s1_body,
        grid=(_NP // _BLK,),
        in_specs=[
            pl.BlockSpec((2, _BLK, 1), lambda i: (0, i, 0)),
            pl.BlockSpec((_BLK, _D), lambda i: (i, 0)),
        ],
        out_specs=[
            pl.BlockSpec((_BLK, 1), lambda i: (i, 0)),
            pl.BlockSpec((_BLK, _D), lambda i: (i, 0)),
        ],
        out_shape=[
            jax.ShapeDtypeStruct((_NP, 1), jnp.float32),
            jax.ShapeDtypeStruct((_NP, _D), jnp.float32),
        ],
    )(deg2, x_pad)


def _s3_body(p1a, p1b, xs, dis, w1t, b1, w2t, hs_ref):
    a = (p1a[...] + p1b[...] + xs[...]) * dis[...]
    h = jnp.dot(a, w1t[...], preferred_element_type=jnp.float32) + b1[...]
    h = jnp.maximum(h, 0.0)
    hs_ref[...] = jnp.dot(h, w2t[...],
                          preferred_element_type=jnp.float32) * dis[...]


def _stage3(p1a, p1b, xs, dis, w1t, b1, w2t):
    hid = w1t.shape[1]
    return pl.pallas_call(
        _s3_body,
        grid=(_NP // _BLK,),
        in_specs=[
            pl.BlockSpec((_BLK, _D), lambda i: (i, 0)),
            pl.BlockSpec((_BLK, _D), lambda i: (i, 0)),
            pl.BlockSpec((_BLK, _D), lambda i: (i, 0)),
            pl.BlockSpec((_BLK, 1), lambda i: (i, 0)),
            pl.BlockSpec((_D, hid), lambda i: (0, 0)),
            pl.BlockSpec((1, hid), lambda i: (0, 0)),
            pl.BlockSpec((hid, _D), lambda i: (0, 0)),
        ],
        out_specs=pl.BlockSpec((_BLK, _D), lambda i: (i, 0)),
        out_shape=jax.ShapeDtypeStruct((_NP, _D), jnp.float32),
    )(p1a, p1b, xs, dis, w1t, b1, w2t)


def _s5_body(p2a, p2b, hs, dis, b2, out_ref):
    out_ref[...] = (p2a[...] + p2b[...] + hs[...]) * dis[...] + b2[...]


def _stage5(p2a, p2b, hs, dis, b2):
    return pl.pallas_call(
        _s5_body,
        grid=(_NP // _BLK,),
        in_specs=[
            pl.BlockSpec((_BLK, _D), lambda i: (i, 0)),
            pl.BlockSpec((_BLK, _D), lambda i: (i, 0)),
            pl.BlockSpec((_BLK, _D), lambda i: (i, 0)),
            pl.BlockSpec((_BLK, 1), lambda i: (i, 0)),
            pl.BlockSpec((1, _D), lambda i: (0, 0)),
        ],
        out_specs=pl.BlockSpec((_BLK, _D), lambda i: (i, 0)),
        out_shape=jax.ShapeDtypeStruct((_NP, _D), jnp.float32),
    )(p2a, p2b, hs, dis, b2)



def kernel(x, edge_index, W1, b1, W2, b2):
    n = x.shape[0]
    e = edge_index.shape[1]
    src = edge_index[0].astype(jnp.int32)
    dst = edge_index[1].astype(jnp.int32)

    nchunk_d = -(-e // (_NW * _CHUNK))
    pad_d = _NW * nchunk_d * _CHUNK - e
    dst_d = jnp.concatenate([dst, jnp.full((pad_d,), n, jnp.int32)])
    dst_d = dst_d.reshape(_NW, nchunk_d, _CHUNK)

    total = -(-e // _CHUNK)
    nc_b = -(-(total * 11) // (20 * _NS))
    nc_a = max(1, -(-(total - _NS * nc_b) // _NS))
    na_e, nb_e = _NS * nc_a * _CHUNK, _NS * nc_b * _CHUNK
    fillp = jnp.full((na_e + nb_e - e,), n, jnp.int32)

    def _grp(arr):
        arr = jnp.concatenate([arr, fillp])
        g0 = arr[:na_e].reshape(_NS, nc_a, _CHUNK)
        g0 = jnp.pad(g0, ((0, 0), (0, nc_b - nc_a), (0, 0)),
                     constant_values=n)
        g1 = arr[na_e:].reshape(_NS, nc_b, _CHUNK)
        return jnp.stack([g0, g1], axis=1).reshape(_NW, nc_b, _CHUNK)

    src_p = _grp(src)
    dst_p = _grp(dst)

    x_pad = jnp.pad(x, ((0, _NP - n), (0, 0)))

    deg2 = _make_deg(nchunk_d)(dst_d)
    dis, xs = _stage1(deg2.reshape(_NC, _NP, 1), x_pad)
    prop = _make_propagate(nc_a, nc_b)
    p1 = prop(xs, src_p, dst_p)
    hs = _stage3(p1[0], p1[1], xs, dis, W1.T, b1.reshape(1, -1), W2.T)
    p2 = prop(hs, src_p, dst_p)
    out = _stage5(p2[0], p2[1], hs, dis, b2.reshape(1, -1))
    return out[:n]

# --- scband reference (transcript-rebuilt; emitter-appended) ---
"""Pipeline reference for scband-gnn-40578851013017 (READ-ONLY COPY).

The authoritative reference and input builder live on the scoring server;
editing this copy changes nothing except your own understanding.
"""

import jax, jax.numpy as jnp
import numpy as np

N_NODES = 10000
N_EDGES = 320000
IN_DIM = 128
HID_DIM = 256  # 2 * out_dim for the first of 2 layers
OUT_DIM = 128


def _xavier(key, shape):
    fan_out, fan_in = shape
    limit = float(np.sqrt(6.0 / (fan_in + fan_out)))
    return jax.random.uniform(key, shape, dtype=jnp.float32, minval=-limit, maxval=limit)


def setup_inputs(seed: int = 0) -> dict:
    key = jax.random.key(seed)
    k_x, k_e, k_w1, k_w2 = jax.random.split(key, 4)
    x = jax.random.normal(k_x, (N_NODES, IN_DIM), dtype=jnp.float32)
    edge_index = jax.random.randint(k_e, (2, N_EDGES), 0, N_NODES, dtype=jnp.int64)
    # GCNConv weights: lin.weight [out, in], bias [out] (xavier init, zero bias per module)
    W1 = _xavier(k_w1, (HID_DIM, IN_DIM))
    b1 = jnp.zeros((HID_DIM,), dtype=jnp.float32)
    W2 = _xavier(k_w2, (OUT_DIM, HID_DIM))
    b2 = jnp.zeros((OUT_DIM,), dtype=jnp.float32)
    return {"x": x, "edge_index": edge_index, "W1": W1, "b1": b1, "W2": W2, "b2": b2}


def _gcn_conv(x, src, dst, norm, W, b, n_nodes):
    # PyG GCNConv: h = x @ W^T; out[dst] += norm * h[src]; out += b
    h = x @ W.T
    msg = jnp.take(h, src, axis=0) * norm[:, None]
    out = jnp.zeros((n_nodes, h.shape[1]), dtype=h.dtype).at[dst].add(msg)
    return out + b


def reference(x, edge_index, W1, b1, W2, b2):
    n = x.shape[0]
    loop = jnp.arange(n, dtype=edge_index.dtype)
    # add self loops (PyG default add_self_loops=True)
    src = jnp.concatenate([edge_index[0], loop])
    dst = jnp.concatenate([edge_index[1], loop])
    # symmetric normalization deg^{-1/2} (PyG gcn_norm, deg over dst with self loops)
    deg = jnp.zeros((n,), dtype=jnp.float32).at[dst].add(1.0)
    deg_inv_sqrt = jnp.where(deg > 0, deg ** -0.5, 0.0)
    norm = deg_inv_sqrt[src] * deg_inv_sqrt[dst]
    # layer 1 (128 -> 256) + relu, layer 2 (256 -> 128)
    h = _gcn_conv(x, src, dst, norm, W1, b1, n)
    h = jax.nn.relu(h)
    out = _gcn_conv(h, src, dst, norm, W2, b2, n)
    return out

if __name__ == "__main__":
    import jax
    _d = setup_inputs()
    print(jax.jit(kernel)(*tuple(_d.values())))

</pallas_src>

<mosaic_0001>
#map = affine_map<(d0, d1) -> (0, 0, 0)>
#map1 = affine_map<(d0, d1) -> (0, 0)>
module attributes {stable_mosaic.version = 14 : i64} {
  func.func @degk(%arg0: i32, %arg1: i32, %arg2: memref<32x79x128xi32, #tpu.memory_space<hbm>>, %arg3: memref<2x10240xf32, #tpu.memory_space<hbm>>, %arg4: memref<79x128xi32, #tpu.memory_space<vmem>>, %arg5: memref<128xf32, #tpu.memory_space<vmem>>, %arg6: memref<640xf32, #tpu.memory_space<vmem>>, %arg7: memref<10240xf32, #tpu.memory_space<vmem_shared>>) attributes {dimension_semantics = [#tpu.dimension_semantics<core_parallel>, #tpu.dimension_semantics<subcore_parallel>], iteration_bounds = array<i64: 2, 16>, scalar_prefetch = 0 : i64, scratch_operands = 4 : i64, tpu.core_type = #tpu.core_type<sc_vector_subcore>, window_params = [{transform_indices = #map}, {transform_indices = #map1}]} {
    %mul3A = arith.constant 2 : i32
    %mul3A_0 = arith.muli %arg1, %mul3A : i32
    %add3A = arith.addi %mul3A_0, %arg0 : i32
    %broadcast_in_dim3A = arith.constant 0.000000e+00 : f32
    %broadcast_in_dim3A_1 = vector.broadcast %broadcast_in_dim3A : f32 to vector<16xf32>
    %swap3A = arith.constant 0 : index
    %swap3A_2 = tpu.vector_load %arg5[%swap3A] {strides = array<i32>} : memref<128xf32, #tpu.memory_space<vmem>>, vector<16xf32>,
    %swap3A_3 = vector.shape_cast %swap3A_2 : vector<16xf32> to vector<16xf32>
    %swap3A_4 = vector.shape_cast %broadcast_in_dim3A_1 : vector<16xf32> to vector<16xf32>
    tpu.vector_store %arg5[%swap3A], %swap3A_4 {strides = array<i32>} : memref<128xf32, #tpu.memory_space<vmem>>, vector<16xf32>,
    %swap3A_5 = arith.constant 16 : index
    %swap3A_6 = tpu.vector_load %arg5[%swap3A_5] {strides = array<i32>} : memref<128xf32, #tpu.memory_space<vmem>>, vector<16xf32>,
    %swap3A_7 = vector.shape_cast %swap3A_6 : vector<16xf32> to vector<16xf32>
    %swap3A_8 = vector.shape_cast %broadcast_in_dim3A_1 : vector<16xf32> to vector<16xf32>
    tpu.vector_store %arg5[%swap3A_5], %swap3A_8 {strides = array<i32>} : memref<128xf32, #tpu.memory_space<vmem>>, vector<16xf32>,
    %swap3A_9 = arith.constant 32 : index
    %swap3A_10 = tpu.vector_load %arg5[%swap3A_9] {strides = array<i32>} : memref<128xf32, #tpu.memory_space<vmem>>, vector<16xf32>,
    %swap3A_11 = vector.shape_cast %swap3A_10 : vector<16xf32> to vector<16xf32>
    %swap3A_12 = vector.shape_cast %broadcast_in_dim3A_1 : vector<16xf32> to vector<16xf32>
    tpu.vector_store %arg5[%swap3A_9], %swap3A_12 {strides = array<i32>} : memref<128xf32, #tpu.memory_space<vmem>>, vector<16xf32>,
    %swap3A_13 = arith.constant 48 : index
    %swap3A_14 = tpu.vector_load %arg5[%swap3A_13] {strides = array<i32>} : memref<128xf32, #tpu.memory_space<vmem>>, vector<16xf32>,
    %swap3A_15 = vector.shape_cast %swap3A_14 : vector<16xf32> to vector<16xf32>
    %swap3A_16 = vector.shape_cast %broadcast_in_dim3A_1 : vector<16xf32> to vector<16xf32>
    tpu.vector_store %arg5[%swap3A_13], %swap3A_16 {strides = array<i32>} : memref<128xf32, #tpu.memory_space<vmem>>, vector<16xf32>,
    %swap3A_17 = arith.constant 64 : index
    %swap3A_18 = tpu.vector_load %arg5[%swap3A_17] {strides = array<i32>} : memref<128xf32, #tpu.memory_space<vmem>>, vector<16xf32>,
    %swap3A_19 = vector.shape_cast %swap3A_18 : vector<16xf32> to vector<16xf32>
    %swap3A_20 = vector.shape_cast %broadcast_in_dim3A_1 : vector<16xf32> to vector<16xf32>
    tpu.vector_store %arg5[%swap3A_17], %swap3A_20 {strides = array<i32>} : memref<128xf32, #tpu.memory_space<vmem>>, vector<16xf32>,
    %swap3A_21 = arith.constant 80 : index
    %swap3A_22 = tpu.vector_load %arg5[%swap3A_21] {strides = array<i32>} : memref<128xf32, #tpu.memory_space<vmem>>, vector<16xf32>,
    %swap3A_23 = vector.shape_cast %swap3A_22 : vector<16xf32> to vector<16xf32>
    %swap3A_24 = vector.shape_cast %broadcast_in_dim3A_1 : vector<16xf32> to vector<16xf32>
    tpu.vector_store %arg5[%swap3A_21], %swap3A_24 {strides = array<i32>} : memref<128xf32, #tpu.memory_space<vmem>>, vector<16xf32>,
    %swap3A_25 = arith.constant 96 : index
    %swap3A_26 = tpu.vector_load %arg5[%swap3A_25] {strides = array<i32>} : memref<128xf32, #tpu.memory_space<vmem>>, vector<16xf32>,
    %swap3A_27 = vector.shape_cast %swap3A_26 : vector<16xf32> to vector<16xf32>
    %swap3A_28 = vector.shape_cast %broadcast_in_dim3A_1 : vector<16xf32> to vector<16xf32>
    tpu.vector_store %arg5[%swap3A_25], %swap3A_28 {strides = array<i32>} : memref<128xf32, #tpu.memory_space<vmem>>, vector<16xf32>,
    %swap3A_29 = arith.constant 112 : index
    %swap3A_30 = tpu.vector_load %arg5[%swap3A_29] {strides = array<i32>} : memref<128xf32, #tpu.memory_space<vmem>>, vector<16xf32>,
    %swap3A_31 = vector.shape_cast %swap3A_30 : vector<16xf32> to vector<16xf32>
    %swap3A_32 = vector.shape_cast %broadcast_in_dim3A_1 : vector<16xf32> to vector<16xf32>
    tpu.vector_store %arg5[%swap3A_29], %swap3A_32 {strides = array<i32>} : memref<128xf32, #tpu.memory_space<vmem>>, vector<16xf32>,
    %scan3A = arith.constant 0 : i32
    %scan3A_33 = arith.constant 0 : i32
    %scan3A_34 = arith.constant 20 : i32
    %scan3A_35 = arith.addi %scan3A_33, %scan3A_34 : i32
    %scan3A_36 = arith.constant 1 : i32
    %scan3A_37 = scf.for %scan3A_85 = %scan3A_33 to %scan3A_35 step %scan3A_36 iter_args(%scan3A_86 = %scan3A) -> (i32)  : i32 {
      %mul3A_87 = arith.constant 640 : i32
      %mul3A_88 = arith.muli %arg1, %mul3A_87 : i32
      %mul3A_89 = arith.constant 32 : i32
      %mul3A_90 = arith.muli %scan3A_85, %mul3A_89 : i32
      %add3A_91 = arith.addi %mul3A_88, %mul3A_90 : i32
      "tpu.region"() ({
        %run_scoped3A = tpu.sem_alloc : memref<!tpu.dma_semaphore, #tpu.memory_space<semaphore_mem>>
        %dma_start3A = arith.constant 0 : i32
        %dma_start3A_93 = tpu.memref_slice %arg5[%dma_start3A] : memref<128xf32, #tpu.memory_space<vmem>> -> memref<32xf32, #tpu.memory_space<vmem>>
        %dma_start3A_94 = tpu.memref_slice %arg7[%add3A_91] : memref<10240xf32, #tpu.memory_space<vmem_shared>> -> memref<32xf32, #tpu.memory_space<vmem_shared>>
        %dma_start3A_95 = tpu.memref_slice %arg7[%add3A_91] : memref<10240xf32, #tpu.memory_space<vmem_shared>> -> memref<32xf32, #tpu.memory_space<vmem_shared>>
        %dma_start3A_96 = arith.constant 0 : i32
        %dma_start3A_97 = tpu.memref_slice %arg5[%dma_start3A_96] : memref<128xf32, #tpu.memory_space<vmem>> -> memref<32xf32, #tpu.memory_space<vmem>>
        tpu.enqueue_dma source(%dma_start3A_97 : memref<32xf32, #tpu.memory_space<vmem>>) target(%dma_start3A_95 : memref<32xf32, #tpu.memory_space<vmem_shared>>) target_semaphore(%run_scoped3A : memref<!tpu.dma_semaphore, #tpu.memory_space<semaphore_mem>>)
        %dma_wait3A = arith.constant 0 : i32
        %dma_wait3A_98 = tpu.memref_slice %arg5[%dma_wait3A] : memref<128xf32, #tpu.memory_space<vmem>> -> memref<32xf32, #tpu.memory_space<vmem>>
        %dma_wait3A_99 = tpu.memref_slice %arg7[%add3A_91] : memref<10240xf32, #tpu.memory_space<vmem_shared>> -> memref<32xf32, #tpu.memory_space<vmem_shared>>
        %dma_wait3A_100 = tpu.memref_slice %arg7[%add3A_91] : memref<10240xf32, #tpu.memory_space<vmem_shared>> -> memref<32xf32, #tpu.memory_space<vmem_shared>>
        %dma_wait3A_101 = arith.constant 0 : i32
        %dma_wait3A_102 = tpu.memref_slice %arg5[%dma_wait3A_101] : memref<128xf32, #tpu.memory_space<vmem>> -> memref<32xf32, #tpu.memory_space<vmem>>
        tpu.wait_dma2 semaphore(%run_scoped3A : memref<!tpu.dma_semaphore, #tpu.memory_space<semaphore_mem>>) src(%dma_wait3A_102 : memref<32xf32, #tpu.memory_space<vmem>>) dst(%dma_wait3A_100 : memref<32xf32, #tpu.memory_space<vmem_shared>>)
        tpu.yield
      }) : () -> ()
      %scan3A_92 = arith.constant 0 : i32
      scf.yield %scan3A_92 : i32
    }
    %scan3A_38 = arith.constant 20 : i32
    %broadcast_in_dim3A_39 = arith.constant 1.000000e+00 : f32
    %broadcast_in_dim3A_40 = vector.broadcast %broadcast_in_dim3A_39 : f32 to vector<16xf32>
    %swap3A_41 = arith.constant 0 : index
    %swap3A_42 = tpu.vector_load %arg5[%swap3A_41] {strides = array<i32>} : memref<128xf32, #tpu.memory_space<vmem>>, vector<16xf32>,
    %swap3A_43 = vector.shape_cast %swap3A_42 : vector<16xf32> to vector<16xf32>
    %swap3A_44 = vector.shape_cast %broadcast_in_dim3A_40 : vector<16xf32> to vector<16xf32>
    tpu.vector_store %arg5[%swap3A_41], %swap3A_44 {strides = array<i32>} : memref<128xf32, #tpu.memory_space<vmem>>, vector<16xf32>,
    %swap3A_45 = arith.constant 16 : index
    %swap3A_46 = tpu.vector_load %arg5[%swap3A_45] {strides = array<i32>} : memref<128xf32, #tpu.memory_space<vmem>>, vector<16xf32>,
    %swap3A_47 = vector.shape_cast %swap3A_46 : vector<16xf32> to vector<16xf32>
    %swap3A_48 = vector.shape_cast %broadcast_in_dim3A_40 : vector<16xf32> to vector<16xf32>
    tpu.vector_store %arg5[%swap3A_45], %swap3A_48 {strides = array<i32>} : memref<128xf32, #tpu.memory_space<vmem>>, vector<16xf32>,
    %swap3A_49 = arith.constant 32 : index
    %swap3A_50 = tpu.vector_load %arg5[%swap3A_49] {strides = array<i32>} : memref<128xf32, #tpu.memory_space<vmem>>, vector<16xf32>,
    %swap3A_51 = vector.shape_cast %swap3A_50 : vector<16xf32> to vector<16xf32>
    %swap3A_52 = vector.shape_cast %broadcast_in_dim3A_40 : vector<16xf32> to vector<16xf32>
    tpu.vector_store %arg5[%swap3A_49], %swap3A_52 {strides = array<i32>} : memref<128xf32, #tpu.memory_space<vmem>>, vector<16xf32>,
    %swap3A_53 = arith.constant 48 : index
    %swap3A_54 = tpu.vector_load %arg5[%swap3A_53] {strides = array<i32>} : memref<128xf32, #tpu.memory_space<vmem>>, vector<16xf32>,
    %swap3A_55 = vector.shape_cast %swap3A_54 : vector<16xf32> to vector<16xf32>
    %swap3A_56 = vector.shape_cast %broadcast_in_dim3A_40 : vector<16xf32> to vector<16xf32>
    tpu.vector_store %arg5[%swap3A_53], %swap3A_56 {strides = array<i32>} : memref<128xf32, #tpu.memory_space<vmem>>, vector<16xf32>,
    %swap3A_57 = arith.constant 64 : index
    %swap3A_58 = tpu.vector_load %arg5[%swap3A_57] {strides = array<i32>} : memref<128xf32, #tpu.memory_space<vmem>>, vector<16xf32>,
    %swap3A_59 = vector.shape_cast %swap3A_58 : vector<16xf32> to vector<16xf32>
    %swap3A_60 = vector.shape_cast %broadcast_in_dim3A_40 : vector<16xf32> to vector<16xf32>
    tpu.vector_store %arg5[%swap3A_57], %swap3A_60 {strides = array<i32>} : memref<128xf32, #tpu.memory_space<vmem>>, vector<16xf32>,
    %swap3A_61 = arith.constant 80 : index
    %swap3A_62 = tpu.vector_load %arg5[%swap3A_61] {strides = array<i32>} : memref<128xf32, #tpu.memory_space<vmem>>, vector<16xf32>,
    %swap3A_63 = vector.shape_cast %swap3A_62 : vector<16xf32> to vector<16xf32>
    %swap3A_64 = vector.shape_cast %broadcast_in_dim3A_40 : vector<16xf32> to vector<16xf32>
    tpu.vector_store %arg5[%swap3A_61], %swap3A_64 {strides = array<i32>} : memref<128xf32, #tpu.memory_space<vmem>>, vector<16xf32>,
    %swap3A_65 = arith.constant 96 : index
    %swap3A_66 = tpu.vector_load %arg5[%swap3A_65] {strides = array<i32>} : memref<128xf32, #tpu.memory_space<vmem>>, vector<16xf32>,
    %swap3A_67 = vector.shape_cast %swap3A_66 : vector<16xf32> to vector<16xf32>
    %swap3A_68 = vector.shape_cast %broadcast_in_dim3A_40 : vector<16xf32> to vector<16xf32>
    tpu.vector_store %arg5[%swap3A_65], %swap3A_68 {strides = array<i32>} : memref<128xf32, #tpu.memory_space<vmem>>, vector<16xf32>,
    %swap3A_69 = arith.constant 112 : index
    %swap3A_70 = tpu.vector_load %arg5[%swap3A_69] {strides = array<i32>} : memref<128xf32, #tpu.memory_space<vmem>>, vector<16xf32>,
    %swap3A_71 = vector.shape_cast %swap3A_70 : vector<16xf32> to vector<16xf32>
    %swap3A_72 = vector.shape_cast %broadcast_in_dim3A_40 : vector<16xf32> to vector<16xf32>
    tpu.vector_store %arg5[%swap3A_69], %swap3A_72 {strides = array<i32>} : memref<128xf32, #tpu.memory_space<vmem>>, vector<16xf32>,
    "tpu.region"() ({
      %run_scoped3A = tpu.sem_alloc : memref<!tpu.dma_semaphore, #tpu.memory_space<semaphore_mem>>
      %dma_start3A = arith.constant 0 : i32
      %dma_start3A_85 = arith.constant 0 : i32
      %dma_start3A_86 = tpu.memref_slice %arg2[%add3A, %dma_start3A, %dma_start3A_85] : memref<32x79x128xi32, #tpu.memory_space<hbm>> -> memref<1x79x128xi32, #tpu.memory_space<hbm>>
      %dma_start3A_87 = tpu.memref_squeeze %dma_start3A_86 : memref<1x79x128xi32, #tpu.memory_space<hbm>> -> memref<79x128xi32, #tpu.memory_space<hbm>>
      %dma_start3A_88 = arith.constant 0 : i32
      %dma_start3A_89 = arith.constant 0 : i32
      %dma_start3A_90 = tpu.memref_slice %arg2[%add3A, %dma_start3A_88, %dma_start3A_89] : memref<32x79x128xi32, #tpu.memory_space<hbm>> -> memref<1x79x128xi32, #tpu.memory_space<hbm>>
      %dma_start3A_91 = tpu.memref_squeeze %dma_start3A_90 : memref<1x79x128xi32, #tpu.memory_space<hbm>> -> memref<79x128xi32, #tpu.memory_space<hbm>>
      tpu.enqueue_dma source(%dma_start3A_91 : memref<79x128xi32, #tpu.memory_space<hbm>>) target(%arg4 : memref<79x128xi32, #tpu.memory_space<vmem>>) target_semaphore(%run_scoped3A : memref<!tpu.dma_semaphore, #tpu.memory_space<semaphore_mem>>)
      %dma_wait3A = arith.constant 0 : i32
      %dma_wait3A_92 = arith.constant 0 : i32
      %dma_wait3A_93 = tpu.memref_slice %arg2[%add3A, %dma_wait3A, %dma_wait3A_92] : memref<32x79x128xi32, #tpu.memory_space<hbm>> -> memref<1x79x128xi32, #tpu.memory_space<hbm>>
      %dma_wait3A_94 = tpu.memref_squeeze %dma_wait3A_93 : memref<1x79x128xi32, #tpu.memory_space<hbm>> -> memref<79x128xi32, #tpu.memory_space<hbm>>
      %dma_wait3A_95 = arith.constant 0 : i32
      %dma_wait3A_96 = arith.constant 0 : i32
      %dma_wait3A_97 = tpu.memref_slice %arg2[%add3A, %dma_wait3A_95, %dma_wait3A_96] : memref<32x79x128xi32, #tpu.memory_space<hbm>> -> memref<1x79x128xi32, #tpu.memory_space<hbm>>
      %dma_wait3A_98 = tpu.memref_squeeze %dma_wait3A_97 : memref<1x79x128xi32, #tpu.memory_space<hbm>> -> memref<79x128xi32, #tpu.memory_space<hbm>>
      tpu.wait_dma2 semaphore(%run_scoped3A : memref<!tpu.dma_semaphore, #tpu.memory_space<semaphore_mem>>) src(%dma_wait3A_98 : memref<79x128xi32, #tpu.memory_space<hbm>>) dst(%arg4 : memref<79x128xi32, #tpu.memory_space<vmem>>)
      tpu.yield
    }) : () -> ()
    %barrier3A = arith.constant 0 : index
    tpu.barrier barrier_id(%barrier3A)
    %scan3A_73 = arith.constant 0 : i32
    %scan3A_74 = arith.constant 0 : i32
    %scan3A_75 = arith.constant 79 : i32
    %scan3A_76 = arith.addi %scan3A_74, %scan3A_75 : i32
    %scan3A_77 = arith.constant 1 : i32
    %scan3A_78 = scf.for %scan3A_85 = %scan3A_74 to %scan3A_76 step %scan3A_77 iter_args(%scan3A_86 = %scan3A_73) -> (i32)  : i32 {
      "tpu.region"() ({
        %run_scoped3A = tpu.sem_alloc : memref<!tpu.dma_semaphore, #tpu.memory_space<semaphore_mem>>
        %dma_start3A = arith.constant 0 : i32
        %dma_start3A_88 = tpu.memref_slice %arg4[%scan3A_85, %dma_start3A] : memref<79x128xi32, #tpu.memory_space<vmem>> -> memref<1x128xi32, #tpu.memory_space<vmem>>
        %dma_start3A_89 = tpu.memref_squeeze %dma_start3A_88 : memref<1x128xi32, #tpu.memory_space<vmem>> -> memref<128xi32, #tpu.memory_space<vmem>>
        %dma_start3A_90 = arith.constant 0 : i32
        %dma_start3A_91 = tpu.memref_slice %arg7[%dma_start3A_90] : memref<10240xf32, #tpu.memory_space<vmem_shared>> -> memref<10240xf32, #tpu.memory_space<vmem_shared>>
        tpu.enqueue_indirect_dma source(%arg5 : memref<128xf32, #tpu.memory_space<vmem>>) target(%dma_start3A_91 : memref<10240xf32, #tpu.memory_space<vmem_shared>>) offsets(%dma_start3A_89 : memref<128xi32, #tpu.memory_space<vmem>>) semaphore(%run_scoped3A : memref<!tpu.dma_semaphore, #tpu.memory_space<semaphore_mem>>) {add = true}
        %dma_wait3A = arith.constant 0 : i32
        %dma_wait3A_92 = tpu.memref_slice %arg4[%scan3A_85, %dma_wait3A] : memref<79x128xi32, #tpu.memory_space<vmem>> -> memref<1x128xi32, #tpu.memory_space<vmem>>
        %dma_wait3A_93 = tpu.memref_squeeze %dma_wait3A_92 : memref<1x128xi32, #tpu.memory_space<vmem>> -> memref<128xi32, #tpu.memory_space<vmem>>
        %dma_wait3A_94 = arith.constant 0 : i32
        %dma_wait3A_95 = tpu.memref_slice %arg7[%dma_wait3A_94] : memref<10240xf32, #tpu.memory_space<vmem_shared>> -> memref<10240xf32, #tpu.memory_space<vmem_shared>>
        tpu.wait_indirect_dma semaphore(%run_scoped3A : memref<!tpu.dma_semaphore, #tpu.memory_space<semaphore_mem>>) src(%arg5 : memref<128xf32, #tpu.memory_space<vmem>>) dst(%dma_wait3A_95 : memref<10240xf32, #tpu.memory_space<vmem_shared>>)
        tpu.yield
      }) : () -> ()
      %scan3A_87 = arith.constant 0 : i32
      scf.yield %scan3A_87 : i32
    }
    %scan3A_79 = arith.constant 79 : i32
    %barrier3A_80 = arith.constant 0 : index
    tpu.barrier barrier_id(%barrier3A_80)
    %mul3A_81 = arith.constant 640 : i32
    %mul3A_82 = arith.muli %arg1, %mul3A_81 : i32
    "tpu.region"() ({
      %run_scoped3A = tpu.sem_alloc : memref<!tpu.dma_semaphore, #tpu.memory_space<semaphore_mem>>
      %dma_start3A = tpu.memref_slice %arg7[%mul3A_82] : memref<10240xf32, #tpu.memory_space<vmem_shared>> -> memref<640xf32, #tpu.memory_space<vmem_shared>>
      %dma_start3A_85 = tpu.memref_slice %arg7[%mul3A_82] : memref<10240xf32, #tpu.memory_space<vmem_shared>> -> memref<640xf32, #tpu.memory_space<vmem_shared>>
      tpu.enqueue_dma source(%dma_start3A_85 : memref<640xf32, #tpu.memory_space<vmem_shared>>) target(%arg6 : memref<640xf32, #tpu.memory_space<vmem>>) target_semaphore(%run_scoped3A : memref<!tpu.dma_semaphore, #tpu.memory_space<semaphore_mem>>)
      %dma_wait3A = tpu.memref_slice %arg7[%mul3A_82] : memref<10240xf32, #tpu.memory_space<vmem_shared>> -> memref<640xf32, #tpu.memory_space<vmem_shared>>
      %dma_wait3A_86 = tpu.memref_slice %arg7[%mul3A_82] : memref<10240xf32, #tpu.memory_space<vmem_shared>> -> memref<640xf32, #tpu.memory_space<vmem_shared>>
      tpu.wait_dma2 semaphore(%run_scoped3A : memref<!tpu.dma_semaphore, #tpu.memory_space<semaphore_mem>>) src(%dma_wait3A_86 : memref<640xf32, #tpu.memory_space<vmem_shared>>) dst(%arg6 : memref<640xf32, #tpu.memory_space<vmem>>)
      tpu.yield
    }) : () -> ()
    %mul3A_83 = arith.constant 640 : i32
    %mul3A_84 = arith.muli %arg1, %mul3A_83 : i32
    "tpu.region"() ({
      %run_scoped3A = tpu.sem_alloc : memref<!tpu.dma_semaphore, #tpu.memory_space<semaphore_mem>>
      %dma_start3A = tpu.memref_slice %arg3[%arg0, %mul3A_84] : memref<2x10240xf32, #tpu.memory_space<hbm>> -> memref<1x640xf32, #tpu.memory_space<hbm>>
      %dma_start3A_85 = tpu.memref_squeeze %dma_start3A : memref<1x640xf32, #tpu.memory_space<hbm>> -> memref<640xf32, #tpu.memory_space<hbm>>
      %dma_start3A_86 = tpu.memref_slice %arg3[%arg0, %mul3A_84] : memref<2x10240xf32, #tpu.memory_space<hbm>> -> memref<1x640xf32, #tpu.memory_space<hbm>>
      %dma_start3A_87 = tpu.memref_squeeze %dma_start3A_86 : memref<1x640xf32, #tpu.memory_space<hbm>> -> memref<640xf32, #tpu.memory_space<hbm>>
      tpu.enqueue_dma source(%arg6 : memref<640xf32, #tpu.memory_space<vmem>>) target(%dma_start3A_87 : memref<640xf32, #tpu.memory_space<hbm>>) target_semaphore(%run_scoped3A : memref<!tpu.dma_semaphore, #tpu.memory_space<semaphore_mem>>)
      %dma_wait3A = tpu.memref_slice %arg3[%arg0, %mul3A_84] : memref<2x10240xf32, #tpu.memory_space<hbm>> -> memref<1x640xf32, #tpu.memory_space<hbm>>
      %dma_wait3A_88 = tpu.memref_squeeze %dma_wait3A : memref<1x640xf32, #tpu.memory_space<hbm>> -> memref<640xf32, #tpu.memory_space<hbm>>
      %dma_wait3A_89 = tpu.memref_slice %arg3[%arg0, %mul3A_84] : memref<2x10240xf32, #tpu.memory_space<hbm>> -> memref<1x640xf32, #tpu.memory_space<hbm>>
      %dma_wait3A_90 = tpu.memref_squeeze %dma_wait3A_89 : memref<1x640xf32, #tpu.memory_space<hbm>> -> memref<640xf32, #tpu.memory_space<hbm>>
      tpu.wait_dma2 semaphore(%run_scoped3A : memref<!tpu.dma_semaphore, #tpu.memory_space<semaphore_mem>>) src(%arg6 : memref<640xf32, #tpu.memory_space<vmem>>) dst(%dma_wait3A_90 : memref<640xf32, #tpu.memory_space<hbm>>)
      tpu.yield
    }) : () -> ()
    return
  }
}

#map = affine_map<(d0, d1) -> (0, 0)>
#map1 = affine_map<(d0, d1) -> (0, 0, 0)>
module attributes {stable_mosaic.version = 14 : i64} {
  func.func @prop(%arg0: i32, %arg1: i32, %arg2: memref<10240x128xf32, #tpu.memory_space<hbm>>, %arg3: memref<32x86x128xi32, #tpu.memory_space<hbm>>, %arg4: memref<32x86x128xi32, #tpu.memory_space<hbm>>, %arg5: memref<2x10240x128xf32, #tpu.memory_space<hbm>>, %arg6: memref<86x128xi32, #tpu.memory_space<vmem>>, %arg7: memref<86x128xi32, #tpu.memory_space<vmem>>, %arg8: memref<128x128xf32, #tpu.memory_space<vmem>>, %arg9: memref<10240x128xf32, #tpu.memory_space<vmem_shared>>, %arg10: memref<!tpu.dma_semaphore, #tpu.memory_space<semaphore_mem>>) attributes {dimension_semantics = [#tpu.dimension_semantics<core_parallel>, #tpu.dimension_semantics<subcore_parallel>], iteration_bounds = array<i64: 2, 16>, scalar_prefetch = 0 : i64, scratch_operands = 5 : i64, tpu.core_type = #tpu.core_type<sc_vector_subcore>, window_params = [{transform_indices = #map}, {transform_indices = #map1}, {transform_indices = #map1}, {transform_indices = #map1}]} {
    %mul3A = arith.constant 2 : i32
    %mul3A_0 = arith.muli %arg1, %mul3A : i32
    %add3A = arith.addi %mul3A_0, %arg0 : i32
    %eq3A = arith.constant 0 : i32
    %eq3A_1 = arith.cmpi eq, %arg0, %eq3A : i32
    %jit3A = arith.constant 71 : i32
    %jit3A_2 = arith.constant 86 : i32
    %select_n3A = arith.select %eq3A_1, %jit3A, %jit3A_2 : i32
    %broadcast_in_dim3A = arith.constant 0.000000e+00 : f32
    %broadcast_in_dim3A_3 = vector.broadcast %broadcast_in_dim3A : f32 to vector<16xf32>
    %scan3A = arith.constant 0 : i32
    %scan3A_4 = arith.constant 0 : i32
    %scan3A_5 = arith.constant 128 : i32
    %scan3A_6 = arith.addi %scan3A_4, %scan3A_5 : i32
    %scan3A_7 = arith.constant 1 : i32
    %scan3A_8 = scf.for %scan3A_36 = %scan3A_4 to %scan3A_6 step %scan3A_7 iter_args(%scan3A_37 = %scan3A) -> (i32)  : i32 {
      %swap3A = arith.index_cast %scan3A_36 : i32 to index
      %swap3A_38 = arith.constant 0 : index
      %swap3A_39 = tpu.vector_load %arg8[%swap3A, %swap3A_38] {strides = array<i32>} : memref<128x128xf32, #tpu.memory_space<vmem>>, vector<1x16xf32>,
      %swap3A_40 = vector.shape_cast %swap3A_39 : vector<1x16xf32> to vector<16xf32>
      %swap3A_41 = vector.shape_cast %broadcast_in_dim3A_3 : vector<16xf32> to vector<1x16xf32>
      tpu.vector_store %arg8[%swap3A, %swap3A_38], %swap3A_41 {strides = array<i32>} : memref<128x128xf32, #tpu.memory_space<vmem>>, vector<1x16xf32>,
      %swap3A_42 = arith.index_cast %scan3A_36 : i32 to index
      %swap3A_43 = arith.constant 16 : index
      %swap3A_44 = tpu.vector_load %arg8[%swap3A_42, %swap3A_43] {strides = array<i32>} : memref<128x128xf32, #tpu.memory_space<vmem>>, vector<1x16xf32>,
      %swap3A_45 = vector.shape_cast %swap3A_44 : vector<1x16xf32> to vector<16xf32>
      %swap3A_46 = vector.shape_cast %broadcast_in_dim3A_3 : vector<16xf32> to vector<1x16xf32>
      tpu.vector_store %arg8[%swap3A_42, %swap3A_43], %swap3A_46 {strides = array<i32>} : memref<128x128xf32, #tpu.memory_space<vmem>>, vector<1x16xf32>,
      %swap3A_47 = arith.index_cast %scan3A_36 : i32 to index
      %swap3A_48 = arith.constant 32 : index
      %swap3A_49 = tpu.vector_load %arg8[%swap3A_47, %swap3A_48] {strides = array<i32>} : memref<128x128xf32, #tpu.memory_space<vmem>>, vector<1x16xf32>,
      %swap3A_50 = vector.shape_cast %swap3A_49 : vector<1x16xf32> to vector<16xf32>
      %swap3A_51 = vector.shape_cast %broadcast_in_dim3A_3 : vector<16xf32> to vector<1x16xf32>
      tpu.vector_store %arg8[%swap3A_47, %swap3A_48], %swap3A_51 {strides = array<i32>} : memref<128x128xf32, #tpu.memory_space<vmem>>, vector<1x16xf32>,
      %swap3A_52 = arith.index_cast %scan3A_36 : i32 to index
      %swap3A_53 = arith.constant 48 : index
      %swap3A_54 = tpu.vector_load %arg8[%swap3A_52, %swap3A_53] {strides = array<i32>} : memref<128x128xf32, #tpu.memory_space<vmem>>, vector<1x16xf32>,
      %swap3A_55 = vector.shape_cast %swap3A_54 : vector<1x16xf32> to vector<16xf32>
      %swap3A_56 = vector.shape_cast %broadcast_in_dim3A_3 : vector<16xf32> to vector<1x16xf32>
      tpu.vector_store %arg8[%swap3A_52, %swap3A_53], %swap3A_56 {strides = array<i32>} : memref<128x128xf32, #tpu.memory_space<vmem>>, vector<1x16xf32>,
      %swap3A_57 = arith.index_cast %scan3A_36 : i32 to index
      %swap3A_58 = arith.constant 64 : index
      %swap3A_59 = tpu.vector_load %arg8[%swap3A_57, %swap3A_58] {strides = array<i32>} : memref<128x128xf32, #tpu.memory_space<vmem>>, vector<1x16xf32>,
      %swap3A_60 = vector.shape_cast %swap3A_59 : vector<1x16xf32> to vector<16xf32>
      %swap3A_61 = vector.shape_cast %broadcast_in_dim3A_3 : vector<16xf32> to vector<1x16xf32>
      tpu.vector_store %arg8[%swap3A_57, %swap3A_58], %swap3A_61 {strides = array<i32>} : memref<128x128xf32, #tpu.memory_space<vmem>>, vector<1x16xf32>,
      %swap3A_62 = arith.index_cast %scan3A_36 : i32 to index
      %swap3A_63 = arith.constant 80 : index
      %swap3A_64 = tpu.vector_load %arg8[%swap3A_62, %swap3A_63] {strides = array<i32>} : memref<128x128xf32, #tpu.memory_space<vmem>>, vector<1x16xf32>,
      %swap3A_65 = vector.shape_cast %swap3A_64 : vector<1x16xf32> to vector<16xf32>
      %swap3A_66 = vector.shape_cast %broadcast_in_dim3A_3 : vector<16xf32> to vector<1x16xf32>
      tpu.vector_store %arg8[%swap3A_62, %swap3A_63], %swap3A_66 {strides = array<i32>} : memref<128x128xf32, #tpu.memory_space<vmem>>, vector<1x16xf32>,
      %swap3A_67 = arith.index_cast %scan3A_36 : i32 to index
      %swap3A_68 = arith.constant 96 : index
      %swap3A_69 = tpu.vector_load %arg8[%swap3A_67, %swap3A_68] {strides = array<i32>} : memref<128x128xf32, #tpu.memory_space<vmem>>, vector<1x16xf32>,
      %swap3A_70 = vector.shape_cast %swap3A_69 : vector<1x16xf32> to vector<16xf32>
      %swap3A_71 = vector.shape_cast %broadcast_in_dim3A_3 : vector<16xf32> to vector<1x16xf32>
      tpu.vector_store %arg8[%swap3A_67, %swap3A_68], %swap3A_71 {strides = array<i32>} : memref<128x128xf32, #tpu.memory_space<vmem>>, vector<1x16xf32>,
      %swap3A_72 = arith.index_cast %scan3A_36 : i32 to index
      %swap3A_73 = arith.constant 112 : index
      %swap3A_74 = tpu.vector_load %arg8[%swap3A_72, %swap3A_73] {strides = array<i32>} : memref<128x128xf32, #tpu.memory_space<vmem>>, vector<1x16xf32>,
      %swap3A_75 = vector.shape_cast %swap3A_74 : vector<1x16xf32> to vector<16xf32>
      %swap3A_76 = vector.shape_cast %broadcast_in_dim3A_3 : vector<16xf32> to vector<1x16xf32>
      tpu.vector_store %arg8[%swap3A_72, %swap3A_73], %swap3A_76 {strides = array<i32>} : memref<128x128xf32, #tpu.memory_space<vmem>>, vector<1x16xf32>,
      %scan3A_77 = arith.constant 0 : i32
      scf.yield %scan3A_77 : i32
    }
    %scan3A_9 = arith.constant 128 : i32
    %scan3A_10 = arith.constant 0 : i32
    %scan3A_11 = arith.constant 0 : i32
    %scan3A_12 = arith.constant 5 : i32
    %scan3A_13 = arith.addi %scan3A_11, %scan3A_12 : i32
    %scan3A_14 = arith.constant 1 : i32
    %scan3A_15 = scf.for %scan3A_36 = %scan3A_11 to %scan3A_13 step %scan3A_14 iter_args(%scan3A_37 = %scan3A_10) -> (i32)  : i32 {
      %mul3A_38 = arith.constant 640 : i32
      %mul3A_39 = arith.muli %arg1, %mul3A_38 : i32
      %mul3A_40 = arith.constant 128 : i32
      %mul3A_41 = arith.muli %scan3A_36, %mul3A_40 : i32
      %add3A_42 = arith.addi %mul3A_39, %mul3A_41 : i32
      "tpu.region"() ({
        %run_scoped3A = tpu.sem_alloc : memref<!tpu.dma_semaphore, #tpu.memory_space<semaphore_mem>>
        %dma_start3A = arith.constant 0 : i32
        %dma_start3A_44 = tpu.memref_slice %arg9[%add3A_42, %dma_start3A] : memref<10240x128xf32, #tpu.memory_space<vmem_shared>> -> memref<128x128xf32, #tpu.memory_space<vmem_shared>>
        %dma_start3A_45 = arith.constant 0 : i32
        %dma_start3A_46 = tpu.memref_slice %arg9[%add3A_42, %dma_start3A_45] : memref<10240x128xf32, #tpu.memory_space<vmem_shared>> -> memref<128x128xf32, #tpu.memory_space<vmem_shared>>
        tpu.enqueue_dma source(%arg8 : memref<128x128xf32, #tpu.memory_space<vmem>>) target(%dma_start3A_46 : memref<128x128xf32, #tpu.memory_space<vmem_shared>>) target_semaphore(%run_scoped3A : memref<!tpu.dma_semaphore, #tpu.memory_space<semaphore_mem>>)
        %dma_wait3A = arith.constant 0 : i32
        %dma_wait3A_47 = tpu.memref_slice %arg9[%add3A_42, %dma_wait3A] : memref<10240x128xf32, #tpu.memory_space<vmem_shared>> -> memref<128x128xf32, #tpu.memory_space<vmem_shared>>
        %dma_wait3A_48 = arith.constant 0 : i32
        %dma_wait3A_49 = tpu.memref_slice %arg9[%add3A_42, %dma_wait3A_48] : memref<10240x128xf32, #tpu.memory_space<vmem_shared>> -> memref<128x128xf32, #tpu.memory_space<vmem_shared>>
        tpu.wait_dma2 semaphore(%run_scoped3A : memref<!tpu.dma_semaphore, #tpu.memory_space<semaphore_mem>>) src(%arg8 : memref<128x128xf32, #tpu.memory_space<vmem>>) dst(%dma_wait3A_49 : memref<128x128xf32, #tpu.memory_space<vmem_shared>>)
        tpu.yield
      }) : () -> ()
      %scan3A_43 = arith.constant 0 : i32
      scf.yield %scan3A_43 : i32
    }
    %scan3A_16 = arith.constant 5 : i32
    "tpu.region"() ({
      %run_scoped3A = tpu.sem_alloc : memref<!tpu.dma_semaphore, #tpu.memory_space<semaphore_mem>>
      %dma_start3A = arith.constant 0 : i32
      %dma_start3A_36 = arith.constant 0 : i32
      %dma_start3A_37 = tpu.memref_slice %arg3[%add3A, %dma_start3A, %dma_start3A_36] : memref<32x86x128xi32, #tpu.memory_space<hbm>> -> memref<1x86x128xi32, #tpu.memory_space<hbm>>
      %dma_start3A_38 = tpu.memref_squeeze %dma_start3A_37 : memref<1x86x128xi32, #tpu.memory_space<hbm>> -> memref<86x128xi32, #tpu.memory_space<hbm>>
      %dma_start3A_39 = arith.constant 0 : i32
      %dma_start3A_40 = arith.constant 0 : i32
      %dma_start3A_41 = tpu.memref_slice %arg3[%add3A, %dma_start3A_39, %dma_start3A_40] : memref<32x86x128xi32, #tpu.memory_space<hbm>> -> memref<1x86x128xi32, #tpu.memory_space<hbm>>
      %dma_start3A_42 = tpu.memref_squeeze %dma_start3A_41 : memref<1x86x128xi32, #tpu.memory_space<hbm>> -> memref<86x128xi32, #tpu.memory_space<hbm>>
      tpu.enqueue_dma source(%dma_start3A_42 : memref<86x128xi32, #tpu.memory_space<hbm>>) target(%arg6 : memref<86x128xi32, #tpu.memory_space<vmem>>) target_semaphore(%run_scoped3A : memref<!tpu.dma_semaphore, #tpu.memory_space<semaphore_mem>>)
      %dma_wait3A = arith.constant 0 : i32
      %dma_wait3A_43 = arith.constant 0 : i32
      %dma_wait3A_44 = tpu.memref_slice %arg3[%add3A, %dma_wait3A, %dma_wait3A_43] : memref<32x86x128xi32, #tpu.memory_space<hbm>> -> memref<1x86x128xi32, #tpu.memory_space<hbm>>
      %dma_wait3A_45 = tpu.memref_squeeze %dma_wait3A_44 : memref<1x86x128xi32, #tpu.memory_space<hbm>> -> memref<86x128xi32, #tpu.memory_space<hbm>>
      %dma_wait3A_46 = arith.constant 0 : i32
      %dma_wait3A_47 = arith.constant 0 : i32
      %dma_wait3A_48 = tpu.memref_slice %arg3[%add3A, %dma_wait3A_46, %dma_wait3A_47] : memref<32x86x128xi32, #tpu.memory_space<hbm>> -> memref<1x86x128xi32, #tpu.memory_space<hbm>>
      %dma_wait3A_49 = tpu.memref_squeeze %dma_wait3A_48 : memref<1x86x128xi32, #tpu.memory_space<hbm>> -> memref<86x128xi32, #tpu.memory_space<hbm>>
      tpu.wait_dma2 semaphore(%run_scoped3A : memref<!tpu.dma_semaphore, #tpu.memory_space<semaphore_mem>>) src(%dma_wait3A_49 : memref<86x128xi32, #tpu.memory_space<hbm>>) dst(%arg6 : memref<86x128xi32, #tpu.memory_space<vmem>>)
      tpu.yield
    }) : () -> ()
    "tpu.region"() ({
      %run_scoped3A = tpu.sem_alloc : memref<!tpu.dma_semaphore, #tpu.memory_space<semaphore_mem>>
      %dma_start3A = arith.constant 0 : i32
      %dma_start3A_36 = arith.constant 0 : i32
      %dma_start3A_37 = tpu.memref_slice %arg4[%add3A, %dma_start3A, %dma_start3A_36] : memref<32x86x128xi32, #tpu.memory_space<hbm>> -> memref<1x86x128xi32, #tpu.memory_space<hbm>>
      %dma_start3A_38 = tpu.memref_squeeze %dma_start3A_37 : memref<1x86x128xi32, #tpu.memory_space<hbm>> -> memref<86x128xi32, #tpu.memory_space<hbm>>
      %dma_start3A_39 = arith.constant 0 : i32
      %dma_start3A_40 = arith.constant 0 : i32
      %dma_start3A_41 = tpu.memref_slice %arg4[%add3A, %dma_start3A_39, %dma_start3A_40] : memref<32x86x128xi32, #tpu.memory_space<hbm>> -> memref<1x86x128xi32, #tpu.memory_space<hbm>>
      %dma_start3A_42 = tpu.memref_squeeze %dma_start3A_41 : memref<1x86x128xi32, #tpu.memory_space<hbm>> -> memref<86x128xi32, #tpu.memory_space<hbm>>
      tpu.enqueue_dma source(%dma_start3A_42 : memref<86x128xi32, #tpu.memory_space<hbm>>) target(%arg7 : memref<86x128xi32, #tpu.memory_space<vmem>>) target_semaphore(%run_scoped3A : memref<!tpu.dma_semaphore, #tpu.memory_space<semaphore_mem>>)
      %dma_wait3A = arith.constant 0 : i32
      %dma_wait3A_43 = arith.constant 0 : i32
      %dma_wait3A_44 = tpu.memref_slice %arg4[%add3A, %dma_wait3A, %dma_wait3A_43] : memref<32x86x128xi32, #tpu.memory_space<hbm>> -> memref<1x86x128xi32, #tpu.memory_space<hbm>>
      %dma_wait3A_45 = tpu.memref_squeeze %dma_wait3A_44 : memref<1x86x128xi32, #tpu.memory_space<hbm>> -> memref<86x128xi32, #tpu.memory_space<hbm>>
      %dma_wait3A_46 = arith.constant 0 : i32
      %dma_wait3A_47 = arith.constant 0 : i32
      %dma_wait3A_48 = tpu.memref_slice %arg4[%add3A, %dma_wait3A_46, %dma_wait3A_47] : memref<32x86x128xi32, #tpu.memory_space<hbm>> -> memref<1x86x128xi32, #tpu.memory_space<hbm>>
      %dma_wait3A_49 = tpu.memref_squeeze %dma_wait3A_48 : memref<1x86x128xi32, #tpu.memory_space<hbm>> -> memref<86x128xi32, #tpu.memory_space<hbm>>
      tpu.wait_dma2 semaphore(%run_scoped3A : memref<!tpu.dma_semaphore, #tpu.memory_space<semaphore_mem>>) src(%dma_wait3A_49 : memref<86x128xi32, #tpu.memory_space<hbm>>) dst(%arg7 : memref<86x128xi32, #tpu.memory_space<vmem>>)
      tpu.yield
    }) : () -> ()
    %barrier3A = arith.constant 0 : index
    tpu.barrier barrier_id(%barrier3A)
    %while3A = arith.constant 0 : i32
    %while3A_17 = arith.constant 0 : i32
    %while3A_18 = arith.subi %select_n3A, %while3A : i32
    %while3A_19 = arith.addi %while3A, %while3A_18 : i32
    %while3A_20 = arith.constant 1 : i32
    %while3A_21 = arith.divsi %while3A_18, %while3A_20 : i32
    %while3A_22 = arith.muli %while3A_21, %while3A_20 : i32
    %while3A_23 = arith.addi %while3A, %while3A_22 : i32
    %while3A_24 = arith.constant 1 : i32
    %while3A_25 = scf.for %while3A_36 = %while3A to %while3A_23 step %while3A_24 iter_args(%while3A_37 = %while3A_17) -> (i32)  : i32 {
      %dma_start3A = arith.constant 0 : i32
      %dma_start3A_38 = tpu.memref_slice %arg6[%while3A_36, %dma_start3A] : memref<86x128xi32, #tpu.memory_space<vmem>> -> memref<1x128xi32, #tpu.memory_space<vmem>>
      %dma_start3A_39 = tpu.memref_squeeze %dma_start3A_38 : memref<1x128xi32, #tpu.memory_space<vmem>> -> memref<128xi32, #tpu.memory_space<vmem>>
      %dma_start3A_40 = arith.constant 0 : i32
      %dma_start3A_41 = arith.constant 0 : i32
      %dma_start3A_42 = tpu.memref_slice %arg2[%dma_start3A_40, %dma_start3A_41] : memref<10240x128xf32, #tpu.memory_space<hbm>> -> memref<10240x128xf32, #tpu.memory_space<hbm>>
      tpu.enqueue_indirect_dma source(%dma_start3A_42 : memref<10240x128xf32, #tpu.memory_space<hbm>>) target(%arg8 : memref<128x128xf32, #tpu.memory_space<vmem>>) offsets(%dma_start3A_39 : memref<128xi32, #tpu.memory_space<vmem>>) semaphore(%arg10 : memref<!tpu.dma_semaphore, #tpu.memory_space<semaphore_mem>>)
      %dma_wait3A = arith.constant 0 : i32
      %dma_wait3A_43 = tpu.memref_slice %arg6[%while3A_36, %dma_wait3A] : memref<86x128xi32, #tpu.memory_space<vmem>> -> memref<1x128xi32, #tpu.memory_space<vmem>>
      %dma_wait3A_44 = tpu.memref_squeeze %dma_wait3A_43 : memref<1x128xi32, #tpu.memory_space<vmem>> -> memref<128xi32, #tpu.memory_space<vmem>>
      %dma_wait3A_45 = arith.constant 0 : i32
      %dma_wait3A_46 = arith.constant 0 : i32
      %dma_wait3A_47 = tpu.memref_slice %arg2[%dma_wait3A_45, %dma_wait3A_46] : memref<10240x128xf32, #tpu.memory_space<hbm>> -> memref<10240x128xf32, #tpu.memory_space<hbm>>
      tpu.wait_indirect_dma semaphore(%arg10 : memref<!tpu.dma_semaphore, #tpu.memory_space<semaphore_mem>>) src(%dma_wait3A_47 : memref<10240x128xf32, #tpu.memory_space<hbm>>) dst(%arg8 : memref<128x128xf32, #tpu.memory_space<vmem>>)
      "tpu.region"() ({
        %run_scoped3A = tpu.sem_alloc : memref<!tpu.dma_semaphore, #tpu.memory_space<semaphore_mem>>
        %dma_start3A_49 = arith.constant 0 : i32
        %dma_start3A_50 = tpu.memref_slice %arg7[%while3A_36, %dma_start3A_49] : memref<86x128xi32, #tpu.memory_space<vmem>> -> memref<1x128xi32, #tpu.memory_space<vmem>>
        %dma_start3A_51 = tpu.memref_squeeze %dma_start3A_50 : memref<1x128xi32, #tpu.memory_space<vmem>> -> memref<128xi32, #tpu.memory_space<vmem>>
        %dma_start3A_52 = arith.constant 0 : i32
        %dma_start3A_53 = arith.constant 0 : i32
        %dma_start3A_54 = tpu.memref_slice %arg9[%dma_start3A_52, %dma_start3A_53] : memref<10240x128xf32, #tpu.memory_space<vmem_shared>> -> memref<10240x128xf32, #tpu.memory_space<vmem_shared>>
        tpu.enqueue_indirect_dma source(%arg8 : memref<128x128xf32, #tpu.memory_space<vmem>>) target(%dma_start3A_54 : memref<10240x128xf32, #tpu.memory_space<vmem_shared>>) offsets(%dma_start3A_51 : memref<128xi32, #tpu.memory_space<vmem>>) semaphore(%run_scoped3A : memref<!tpu.dma_semaphore, #tpu.memory_space<semaphore_mem>>) {add = true}
        %dma_wait3A_55 = arith.constant 0 : i32
        %dma_wait3A_56 = tpu.memref_slice %arg7[%while3A_36, %dma_wait3A_55] : memref<86x128xi32, #tpu.memory_space<vmem>> -> memref<1x128xi32, #tpu.memory_space<vmem>>
        %dma_wait3A_57 = tpu.memref_squeeze %dma_wait3A_56 : memref<1x128xi32, #tpu.memory_space<vmem>> -> memref<128xi32, #tpu.memory_space<vmem>>
        %dma_wait3A_58 = arith.constant 0 : i32
        %dma_wait3A_59 = arith.constant 0 : i32
        %dma_wait3A_60 = tpu.memref_slice %arg9[%dma_wait3A_58, %dma_wait3A_59] : memref<10240x128xf32, #tpu.memory_space<vmem_shared>> -> memref<10240x128xf32, #tpu.memory_space<vmem_shared>>
        tpu.wait_indirect_dma semaphore(%run_scoped3A : memref<!tpu.dma_semaphore, #tpu.memory_space<semaphore_mem>>) src(%arg8 : memref<128x128xf32, #tpu.memory_space<vmem>>) dst(%dma_wait3A_60 : memref<10240x128xf32, #tpu.memory_space<vmem_shared>>)
        tpu.yield
      }) : () -> ()
      %while3A_48 = arith.constant 0 : i32
      scf.yield %while3A_48 : i32
    }
    %while3A_26 = arith.constant 1 : i32
    %while3A_27 = scf.for %while3A_36 = %while3A_23 to %while3A_19 step %while3A_26 iter_args(%while3A_37 = %while3A_25) -> (i32)  : i32 {
      %dma_start3A = arith.constant 0 : i32
      %dma_start3A_38 = tpu.memref_slice %arg6[%while3A_36, %dma_start3A] : memref<86x128xi32, #tpu.memory_space<vmem>> -> memref<1x128xi32, #tpu.memory_space<vmem>>
      %dma_start3A_39 = tpu.memref_squeeze %dma_start3A_38 : memref<1x128xi32, #tpu.memory_space<vmem>> -> memref<128xi32, #tpu.memory_space<vmem>>
      %dma_start3A_40 = arith.constant 0 : i32
      %dma_start3A_41 = arith.constant 0 : i32
      %dma_start3A_42 = tpu.memref_slice %arg2[%dma_start3A_40, %dma_start3A_41] : memref<10240x128xf32, #tpu.memory_space<hbm>> -> memref<10240x128xf32, #tpu.memory_space<hbm>>
      tpu.enqueue_indirect_dma source(%dma_start3A_42 : memref<10240x128xf32, #tpu.memory_space<hbm>>) target(%arg8 : memref<128x128xf32, #tpu.memory_space<vmem>>) offsets(%dma_start3A_39 : memref<128xi32, #tpu.memory_space<vmem>>) semaphore(%arg10 : memref<!tpu.dma_semaphore, #tpu.memory_space<semaphore_mem>>)
      %dma_wait3A = arith.constant 0 : i32
      %dma_wait3A_43 = tpu.memref_slice %arg6[%while3A_36, %dma_wait3A] : memref<86x128xi32, #tpu.memory_space<vmem>> -> memref<1x128xi32, #tpu.memory_space<vmem>>
      %dma_wait3A_44 = tpu.memref_squeeze %dma_wait3A_43 : memref<1x128xi32, #tpu.memory_space<vmem>> -> memref<128xi32, #tpu.memory_space<vmem>>
      %dma_wait3A_45 = arith.constant 0 : i32
      %dma_wait3A_46 = arith.constant 0 : i32
      %dma_wait3A_47 = tpu.memref_slice %arg2[%dma_wait3A_45, %dma_wait3A_46] : memref<10240x128xf32, #tpu.memory_space<hbm>> -> memref<10240x128xf32, #tpu.memory_space<hbm>>
      tpu.wait_indirect_dma semaphore(%arg10 : memref<!tpu.dma_semaphore, #tpu.memory_space<semaphore_mem>>) src(%dma_wait3A_47 : memref<10240x128xf32, #tpu.memory_space<hbm>>) dst(%arg8 : memref<128x128xf32, #tpu.memory_space<vmem>>)
      "tpu.region"() ({
        %run_scoped3A = tpu.sem_alloc : memref<!tpu.dma_semaphore, #tpu.memory_space<semaphore_mem>>
        %dma_start3A_49 = arith.constant 0 : i32
        %dma_start3A_50 = tpu.memref_slice %arg7[%while3A_36, %dma_start3A_49] : memref<86x128xi32, #tpu.memory_space<vmem>> -> memref<1x128xi32, #tpu.memory_space<vmem>>
        %dma_start3A_51 = tpu.memref_squeeze %dma_start3A_50 : memref<1x128xi32, #tpu.memory_space<vmem>> -> memref<128xi32, #tpu.memory_space<vmem>>
        %dma_start3A_52 = arith.constant 0 : i32
        %dma_start3A_53 = arith.constant 0 : i32
        %dma_start3A_54 = tpu.memref_slice %arg9[%dma_start3A_52, %dma_start3A_53] : memref<10240x128xf32, #tpu.memory_space<vmem_shared>> -> memref<10240x128xf32, #tpu.memory_space<vmem_shared>>
        tpu.enqueue_indirect_dma source(%arg8 : memref<128x128xf32, #tpu.memory_space<vmem>>) target(%dma_start3A_54 : memref<10240x128xf32, #tpu.memory_space<vmem_shared>>) offsets(%dma_start3A_51 : memref<128xi32, #tpu.memory_space<vmem>>) semaphore(%run_scoped3A : memref<!tpu.dma_semaphore, #tpu.memory_space<semaphore_mem>>) {add = true}
        %dma_wait3A_55 = arith.constant 0 : i32
        %dma_wait3A_56 = tpu.memref_slice %arg7[%while3A_36, %dma_wait3A_55] : memref<86x128xi32, #tpu.memory_space<vmem>> -> memref<1x128xi32, #tpu.memory_space<vmem>>
        %dma_wait3A_57 = tpu.memref_squeeze %dma_wait3A_56 : memref<1x128xi32, #tpu.memory_space<vmem>> -> memref<128xi32, #tpu.memory_space<vmem>>
        %dma_wait3A_58 = arith.constant 0 : i32
        %dma_wait3A_59 = arith.constant 0 : i32
        %dma_wait3A_60 = tpu.memref_slice %arg9[%dma_wait3A_58, %dma_wait3A_59] : memref<10240x128xf32, #tpu.memory_space<vmem_shared>> -> memref<10240x128xf32, #tpu.memory_space<vmem_shared>>
        tpu.wait_indirect_dma semaphore(%run_scoped3A : memref<!tpu.dma_semaphore, #tpu.memory_space<semaphore_mem>>) src(%arg8 : memref<128x128xf32, #tpu.memory_space<vmem>>) dst(%dma_wait3A_60 : memref<10240x128xf32, #tpu.memory_space<vmem_shared>>)
        tpu.yield
      }) : () -> ()
      %while3A_48 = arith.constant 0 : i32
      scf.yield %while3A_48 : i32
    }
    %barrier3A_28 = arith.constant 0 : index
    tpu.barrier barrier_id(%barrier3A_28)
    %scan3A_29 = arith.constant 0 : i32
    %scan3A_30 = arith.constant 0 : i32
    %scan3A_31 = arith.constant 5 : i32
    %scan3A_32 = arith.addi %scan3A_30, %scan3A_31 : i32
    %scan3A_33 = arith.constant 1 : i32
    %scan3A_34 = scf.for %scan3A_36 = %scan3A_30 to %scan3A_32 step %scan3A_33 iter_args(%scan3A_37 = %scan3A_29) -> (i32)  : i32 {
      %mul3A_38 = arith.constant 640 : i32
      %mul3A_39 = arith.muli %arg1, %mul3A_38 : i32
      %mul3A_40 = arith.constant 128 : i32
      %mul3A_41 = arith.muli %scan3A_36, %mul3A_40 : i32
      %add3A_42 = arith.addi %mul3A_39, %mul3A_41 : i32
      "tpu.region"() ({
        %run_scoped3A = tpu.sem_alloc : memref<!tpu.dma_semaphore, #tpu.memory_space<semaphore_mem>>
        %dma_start3A = arith.constant 0 : i32
        %dma_start3A_44 = tpu.memref_slice %arg9[%add3A_42, %dma_start3A] : memref<10240x128xf32, #tpu.memory_space<vmem_shared>> -> memref<128x128xf32, #tpu.memory_space<vmem_shared>>
        %dma_start3A_45 = arith.constant 0 : i32
        %dma_start3A_46 = tpu.memref_slice %arg9[%add3A_42, %dma_start3A_45] : memref<10240x128xf32, #tpu.memory_space<vmem_shared>> -> memref<128x128xf32, #tpu.memory_space<vmem_shared>>
        tpu.enqueue_dma source(%dma_start3A_46 : memref<128x128xf32, #tpu.memory_space<vmem_shared>>) target(%arg8 : memref<128x128xf32, #tpu.memory_space<vmem>>) target_semaphore(%run_scoped3A : memref<!tpu.dma_semaphore, #tpu.memory_space<semaphore_mem>>)
        %dma_wait3A = arith.constant 0 : i32
        %dma_wait3A_47 = tpu.memref_slice %arg9[%add3A_42, %dma_wait3A] : memref<10240x128xf32, #tpu.memory_space<vmem_shared>> -> memref<128x128xf32, #tpu.memory_space<vmem_shared>>
        %dma_wait3A_48 = arith.constant 0 : i32
        %dma_wait3A_49 = tpu.memref_slice %arg9[%add3A_42, %dma_wait3A_48] : memref<10240x128xf32, #tpu.memory_space<vmem_shared>> -> memref<128x128xf32, #tpu.memory_space<vmem_shared>>
        tpu.wait_dma2 semaphore(%run_scoped3A : memref<!tpu.dma_semaphore, #tpu.memory_space<semaphore_mem>>) src(%dma_wait3A_49 : memref<128x128xf32, #tpu.memory_space<vmem_shared>>) dst(%arg8 : memref<128x128xf32, #tpu.memory_space<vmem>>)
        tpu.yield
      }) : () -> ()
      "tpu.region"() ({
        %run_scoped3A = tpu.sem_alloc : memref<!tpu.dma_semaphore, #tpu.memory_space<semaphore_mem>>
        %dma_start3A = arith.constant 0 : i32
        %dma_start3A_44 = tpu.memref_slice %arg5[%arg0, %add3A_42, %dma_start3A] : memref<2x10240x128xf32, #tpu.memory_space<hbm>> -> memref<1x128x128xf32, #tpu.memory_space<hbm>>
        %dma_start3A_45 = tpu.memref_squeeze %dma_start3A_44 : memref<1x128x128xf32, #tpu.memory_space<hbm>> -> memref<128x128xf32, #tpu.memory_space<hbm>>
        %dma_start3A_46 = arith.constant 0 : i32
        %dma_start3A_47 = tpu.memref_slice %arg5[%arg0, %add3A_42, %dma_start3A_46] : memref<2x10240x128xf32, #tpu.memory_space<hbm>> -> memref<1x128x128xf32, #tpu.memory_space<hbm>>
        %dma_start3A_48 = tpu.memref_squeeze %dma_start3A_47 : memref<1x128x128xf32, #tpu.memory_space<hbm>> -> memref<128x128xf32, #tpu.memory_space<hbm>>
        tpu.enqueue_dma source(%arg8 : memref<128x128xf32, #tpu.memory_space<vmem>>) target(%dma_start3A_48 : memref<128x128xf32, #tpu.memory_space<hbm>>) target_semaphore(%run_scoped3A : memref<!tpu.dma_semaphore, #tpu.memory_space<semaphore_mem>>)
        %dma_wait3A = arith.constant 0 : i32
        %dma_wait3A_49 = tpu.memref_slice %arg5[%arg0, %add3A_42, %dma_wait3A] : memref<2x10240x128xf32, #tpu.memory_space<hbm>> -> memref<1x128x128xf32, #tpu.memory_space<hbm>>
        %dma_wait3A_50 = tpu.memref_squeeze %dma_wait3A_49 : memref<1x128x128xf32, #tpu.memory_space<hbm>> -> memref<128x128xf32, #tpu.memory_space<hbm>>
        %dma_wait3A_51 = arith.constant 0 : i32
        %dma_wait3A_52 = tpu.memref_slice %arg5[%arg0, %add3A_42, %dma_wait3A_51] : memref<2x10240x128xf32, #tpu.memory_space<hbm>> -> memref<1x128x128xf32, #tpu.memory_space<hbm>>
        %dma_wait3A_53 = tpu.memref_squeeze %dma_wait3A_52 : memref<1x128x128xf32, #tpu.memory_space<hbm>> -> memref<128x128xf32, #tpu.memory_space<hbm>>
        tpu.wait_dma2 semaphore(%run_scoped3A : memref<!tpu.dma_semaphore, #tpu.memory_space<semaphore_mem>>) src(%arg8 : memref<128x128xf32, #tpu.memory_space<vmem>>) dst(%dma_wait3A_53 : memref<128x128xf32, #tpu.memory_space<hbm>>)
        tpu.yield
      }) : () -> ()
      %scan3A_43 = arith.constant 0 : i32
      scf.yield %scan3A_43 : i32
    }
    %scan3A_35 = arith.constant 5 : i32
    return
  }
}

#map = affine_map<(d0, d1) -> (0, 0)>
#map1 = affine_map<(d0, d1) -> (0, 0, 0)>
module attributes {stable_mosaic.version = 14 : i64} {
  func.func @prop(%arg0: i32, %arg1: i32, %arg2: memref<10240x128xf32, #tpu.memory_space<hbm>>, %arg3: memref<32x86x128xi32, #tpu.memory_space<hbm>>, %arg4: memref<32x86x128xi32, #tpu.memory_space<hbm>>, %arg5: memref<2x10240x128xf32, #tpu.memory_space<hbm>>, %arg6: memref<86x128xi32, #tpu.memory_space<vmem>>, %arg7: memref<86x128xi32, #tpu.memory_space<vmem>>, %arg8: memref<128x128xf32, #tpu.memory_space<vmem>>, %arg9: memref<10240x128xf32, #tpu.memory_space<vmem_shared>>, %arg10: memref<!tpu.dma_semaphore, #tpu.memory_space<semaphore_mem>>) attributes {dimension_semantics = [#tpu.dimension_semantics<core_parallel>, #tpu.dimension_semantics<subcore_parallel>], iteration_bounds = array<i64: 2, 16>, scalar_prefetch = 0 : i64, scratch_operands = 5 : i64, tpu.core_type = #tpu.core_type<sc_vector_subcore>, window_params = [{transform_indices = #map}, {transform_indices = #map1}, {transform_indices = #map1}, {transform_indices = #map1}]} {
    %mul3A = arith.constant 2 : i32
    %mul3A_0 = arith.muli %arg1, %mul3A : i32
    %add3A = arith.addi %mul3A_0, %arg0 : i32
    %eq3A = arith.constant 0 : i32
    %eq3A_1 = arith.cmpi eq, %arg0, %eq3A : i32
    %jit3A = arith.constant 71 : i32
    %jit3A_2 = arith.constant 86 : i32
    %select_n3A = arith.select %eq3A_1, %jit3A, %jit3A_2 : i32
    %broadcast_in_dim3A = arith.constant 0.000000e+00 : f32
    %broadcast_in_dim3A_3 = vector.broadcast %broadcast_in_dim3A : f32 to vector<16xf32>
    %scan3A = arith.constant 0 : i32
    %scan3A_4 = arith.constant 0 : i32
    %scan3A_5 = arith.constant 128 : i32
    %scan3A_6 = arith.addi %scan3A_4, %scan3A_5 : i32
    %scan3A_7 = arith.constant 1 : i32
    %scan3A_8 = scf.for %scan3A_36 = %scan3A_4 to %scan3A_6 step %scan3A_7 iter_args(%scan3A_37 = %scan3A) -> (i32)  : i32 {
      %swap3A = arith.index_cast %scan3A_36 : i32 to index
      %swap3A_38 = arith.constant 0 : index
      %swap3A_39 = tpu.vector_load %arg8[%swap3A, %swap3A_38] {strides = array<i32>} : memref<128x128xf32, #tpu.memory_space<vmem>>, vector<1x16xf32>,
      %swap3A_40 = vector.shape_cast %swap3A_39 : vector<1x16xf32> to vector<16xf32>
      %swap3A_41 = vector.shape_cast %broadcast_in_dim3A_3 : vector<16xf32> to vector<1x16xf32>
      tpu.vector_store %arg8[%swap3A, %swap3A_38], %swap3A_41 {strides = array<i32>} : memref<128x128xf32, #tpu.memory_space<vmem>>, vector<1x16xf32>,
      %swap3A_42 = arith.index_cast %scan3A_36 : i32 to index
      %swap3A_43 = arith.constant 16 : index
      %swap3A_44 = tpu.vector_load %arg8[%swap3A_42, %swap3A_43] {strides = array<i32>} : memref<128x128xf32, #tpu.memory_space<vmem>>, vector<1x16xf32>,
      %swap3A_45 = vector.shape_cast %swap3A_44 : vector<1x16xf32> to vector<16xf32>
      %swap3A_46 = vector.shape_cast %broadcast_in_dim3A_3 : vector<16xf32> to vector<1x16xf32>
      tpu.vector_store %arg8[%swap3A_42, %swap3A_43], %swap3A_46 {strides = array<i32>} : memref<128x128xf32, #tpu.memory_space<vmem>>, vector<1x16xf32>,
      %swap3A_47 = arith.index_cast %scan3A_36 : i32 to index
      %swap3A_48 = arith.constant 32 : index
      %swap3A_49 = tpu.vector_load %arg8[%swap3A_47, %swap3A_48] {strides = array<i32>} : memref<128x128xf32, #tpu.memory_space<vmem>>, vector<1x16xf32>,
      %swap3A_50 = vector.shape_cast %swap3A_49 : vector<1x16xf32> to vector<16xf32>
      %swap3A_51 = vector.shape_cast %broadcast_in_dim3A_3 : vector<16xf32> to vector<1x16xf32>
      tpu.vector_store %arg8[%swap3A_47, %swap3A_48], %swap3A_51 {strides = array<i32>} : memref<128x128xf32, #tpu.memory_space<vmem>>, vector<1x16xf32>,
      %swap3A_52 = arith.index_cast %scan3A_36 : i32 to index
      %swap3A_53 = arith.constant 48 : index
      %swap3A_54 = tpu.vector_load %arg8[%swap3A_52, %swap3A_53] {strides = array<i32>} : memref<128x128xf32, #tpu.memory_space<vmem>>, vector<1x16xf32>,
      %swap3A_55 = vector.shape_cast %swap3A_54 : vector<1x16xf32> to vector<16xf32>
      %swap3A_56 = vector.shape_cast %broadcast_in_dim3A_3 : vector<16xf32> to vector<1x16xf32>
      tpu.vector_store %arg8[%swap3A_52, %swap3A_53], %swap3A_56 {strides = array<i32>} : memref<128x128xf32, #tpu.memory_space<vmem>>, vector<1x16xf32>,
      %swap3A_57 = arith.index_cast %scan3A_36 : i32 to index
      %swap3A_58 = arith.constant 64 : index
      %swap3A_59 = tpu.vector_load %arg8[%swap3A_57, %swap3A_58] {strides = array<i32>} : memref<128x128xf32, #tpu.memory_space<vmem>>, vector<1x16xf32>,
      %swap3A_60 = vector.shape_cast %swap3A_59 : vector<1x16xf32> to vector<16xf32>
      %swap3A_61 = vector.shape_cast %broadcast_in_dim3A_3 : vector<16xf32> to vector<1x16xf32>
      tpu.vector_store %arg8[%swap3A_57, %swap3A_58], %swap3A_61 {strides = array<i32>} : memref<128x128xf32, #tpu.memory_space<vmem>>, vector<1x16xf32>,
      %swap3A_62 = arith.index_cast %scan3A_36 : i32 to index
      %swap3A_63 = arith.constant 80 : index
      %swap3A_64 = tpu.vector_load %arg8[%swap3A_62, %swap3A_63] {strides = array<i32>} : memref<128x128xf32, #tpu.memory_space<vmem>>, vector<1x16xf32>,
      %swap3A_65 = vector.shape_cast %swap3A_64 : vector<1x16xf32> to vector<16xf32>
      %swap3A_66 = vector.shape_cast %broadcast_in_dim3A_3 : vector<16xf32> to vector<1x16xf32>
      tpu.vector_store %arg8[%swap3A_62, %swap3A_63], %swap3A_66 {strides = array<i32>} : memref<128x128xf32, #tpu.memory_space<vmem>>, vector<1x16xf32>,
      %swap3A_67 = arith.index_cast %scan3A_36 : i32 to index
      %swap3A_68 = arith.constant 96 : index
      %swap3A_69 = tpu.vector_load %arg8[%swap3A_67, %swap3A_68] {strides = array<i32>} : memref<128x128xf32, #tpu.memory_space<vmem>>, vector<1x16xf32>,
      %swap3A_70 = vector.shape_cast %swap3A_69 : vector<1x16xf32> to vector<16xf32>
      %swap3A_71 = vector.shape_cast %broadcast_in_dim3A_3 : vector<16xf32> to vector<1x16xf32>
      tpu.vector_store %arg8[%swap3A_67, %swap3A_68], %swap3A_71 {strides = array<i32>} : memref<128x128xf32, #tpu.memory_space<vmem>>, vector<1x16xf32>,
      %swap3A_72 = arith.index_cast %scan3A_36 : i32 to index
      %swap3A_73 = arith.constant 112 : index
      %swap3A_74 = tpu.vector_load %arg8[%swap3A_72, %swap3A_73] {strides = array<i32>} : memref<128x128xf32, #tpu.memory_space<vmem>>, vector<1x16xf32>,
      %swap3A_75 = vector.shape_cast %swap3A_74 : vector<1x16xf32> to vector<16xf32>
      %swap3A_76 = vector.shape_cast %broadcast_in_dim3A_3 : vector<16xf32> to vector<1x16xf32>
      tpu.vector_store %arg8[%swap3A_72, %swap3A_73], %swap3A_76 {strides = array<i32>} : memref<128x128xf32, #tpu.memory_space<vmem>>, vector<1x16xf32>,
      %scan3A_77 = arith.constant 0 : i32
      scf.yield %scan3A_77 : i32
    }
    %scan3A_9 = arith.constant 128 : i32
    %scan3A_10 = arith.constant 0 : i32
    %scan3A_11 = arith.constant 0 : i32
    %scan3A_12 = arith.constant 5 : i32
    %scan3A_13 = arith.addi %scan3A_11, %scan3A_12 : i32
    %scan3A_14 = arith.constant 1 : i32
    %scan3A_15 = scf.for %scan3A_36 = %scan3A_11 to %scan3A_13 step %scan3A_14 iter_args(%scan3A_37 = %scan3A_10) -> (i32)  : i32 {
      %mul3A_38 = arith.constant 640 : i32
      %mul3A_39 = arith.muli %arg1, %mul3A_38 : i32
      %mul3A_40 = arith.constant 128 : i32
      %mul3A_41 = arith.muli %scan3A_36, %mul3A_40 : i32
      %add3A_42 = arith.addi %mul3A_39, %mul3A_41 : i32
      "tpu.region"() ({
        %run_scoped3A = tpu.sem_alloc : memref<!tpu.dma_semaphore, #tpu.memory_space<semaphore_mem>>
        %dma_start3A = arith.constant 0 : i32
        %dma_start3A_44 = tpu.memref_slice %arg9[%add3A_42, %dma_start3A] : memref<10240x128xf32, #tpu.memory_space<vmem_shared>> -> memref<128x128xf32, #tpu.memory_space<vmem_shared>>
        %dma_start3A_45 = arith.constant 0 : i32
        %dma_start3A_46 = tpu.memref_slice %arg9[%add3A_42, %dma_start3A_45] : memref<10240x128xf32, #tpu.memory_space<vmem_shared>> -> memref<128x128xf32, #tpu.memory_space<vmem_shared>>
        tpu.enqueue_dma source(%arg8 : memref<128x128xf32, #tpu.memory_space<vmem>>) target(%dma_start3A_46 : memref<128x128xf32, #tpu.memory_space<vmem_shared>>) target_semaphore(%run_scoped3A : memref<!tpu.dma_semaphore, #tpu.memory_space<semaphore_mem>>)
        %dma_wait3A = arith.constant 0 : i32
        %dma_wait3A_47 = tpu.memref_slice %arg9[%add3A_42, %dma_wait3A] : memref<10240x128xf32, #tpu.memory_space<vmem_shared>> -> memref<128x128xf32, #tpu.memory_space<vmem_shared>>
        %dma_wait3A_48 = arith.constant 0 : i32
        %dma_wait3A_49 = tpu.memref_slice %arg9[%add3A_42, %dma_wait3A_48] : memref<10240x128xf32, #tpu.memory_space<vmem_shared>> -> memref<128x128xf32, #tpu.memory_space<vmem_shared>>
        tpu.wait_dma2 semaphore(%run_scoped3A : memref<!tpu.dma_semaphore, #tpu.memory_space<semaphore_mem>>) src(%arg8 : memref<128x128xf32, #tpu.memory_space<vmem>>) dst(%dma_wait3A_49 : memref<128x128xf32, #tpu.memory_space<vmem_shared>>)
        tpu.yield
      }) : () -> ()
      %scan3A_43 = arith.constant 0 : i32
      scf.yield %scan3A_43 : i32
    }
    %scan3A_16 = arith.constant 5 : i32
    "tpu.region"() ({
      %run_scoped3A = tpu.sem_alloc : memref<!tpu.dma_semaphore, #tpu.memory_space<semaphore_mem>>
      %dma_start3A = arith.constant 0 : i32
      %dma_start3A_36 = arith.constant 0 : i32
      %dma_start3A_37 = tpu.memref_slice %arg3[%add3A, %dma_start3A, %dma_start3A_36] : memref<32x86x128xi32, #tpu.memory_space<hbm>> -> memref<1x86x128xi32, #tpu.memory_space<hbm>>
      %dma_start3A_38 = tpu.memref_squeeze %dma_start3A_37 : memref<1x86x128xi32, #tpu.memory_space<hbm>> -> memref<86x128xi32, #tpu.memory_space<hbm>>
      %dma_start3A_39 = arith.constant 0 : i32
      %dma_start3A_40 = arith.constant 0 : i32
      %dma_start3A_41 = tpu.memref_slice %arg3[%add3A, %dma_start3A_39, %dma_start3A_40] : memref<32x86x128xi32, #tpu.memory_space<hbm>> -> memref<1x86x128xi32, #tpu.memory_space<hbm>>
      %dma_start3A_42 = tpu.memref_squeeze %dma_start3A_41 : memref<1x86x128xi32, #tpu.memory_space<hbm>> -> memref<86x128xi32, #tpu.memory_space<hbm>>
      tpu.enqueue_dma source(%dma_start3A_42 : memref<86x128xi32, #tpu.memory_space<hbm>>) target(%arg6 : memref<86x128xi32, #tpu.memory_space<vmem>>) target_semaphore(%run_scoped3A : memref<!tpu.dma_semaphore, #tpu.memory_space<semaphore_mem>>)
      %dma_wait3A = arith.constant 0 : i32
      %dma_wait3A_43 = arith.constant 0 : i32
      %dma_wait3A_44 = tpu.memref_slice %arg3[%add3A, %dma_wait3A, %dma_wait3A_43] : memref<32x86x128xi32, #tpu.memory_space<hbm>> -> memref<1x86x128xi32, #tpu.memory_space<hbm>>
      %dma_wait3A_45 = tpu.memref_squeeze %dma_wait3A_44 : memref<1x86x128xi32, #tpu.memory_space<hbm>> -> memref<86x128xi32, #tpu.memory_space<hbm>>
      %dma_wait3A_46 = arith.constant 0 : i32
      %dma_wait3A_47 = arith.constant 0 : i32
      %dma_wait3A_48 = tpu.memref_slice %arg3[%add3A, %dma_wait3A_46, %dma_wait3A_47] : memref<32x86x128xi32, #tpu.memory_space<hbm>> -> memref<1x86x128xi32, #tpu.memory_space<hbm>>
      %dma_wait3A_49 = tpu.memref_squeeze %dma_wait3A_48 : memref<1x86x128xi32, #tpu.memory_space<hbm>> -> memref<86x128xi32, #tpu.memory_space<hbm>>
      tpu.wait_dma2 semaphore(%run_scoped3A : memref<!tpu.dma_semaphore, #tpu.memory_space<semaphore_mem>>) src(%dma_wait3A_49 : memref<86x128xi32, #tpu.memory_space<hbm>>) dst(%arg6 : memref<86x128xi32, #tpu.memory_space<vmem>>)
      tpu.yield
    }) : () -> ()
    "tpu.region"() ({
      %run_scoped3A = tpu.sem_alloc : memref<!tpu.dma_semaphore, #tpu.memory_space<semaphore_mem>>
      %dma_start3A = arith.constant 0 : i32
      %dma_start3A_36 = arith.constant 0 : i32
      %dma_start3A_37 = tpu.memref_slice %arg4[%add3A, %dma_start3A, %dma_start3A_36] : memref<32x86x128xi32, #tpu.memory_space<hbm>> -> memref<1x86x128xi32, #tpu.memory_space<hbm>>
      %dma_start3A_38 = tpu.memref_squeeze %dma_start3A_37 : memref<1x86x128xi32, #tpu.memory_space<hbm>> -> memref<86x128xi32, #tpu.memory_space<hbm>>
      %dma_start3A_39 = arith.constant 0 : i32
      %dma_start3A_40 = arith.constant 0 : i32
      %dma_start3A_41 = tpu.memref_slice %arg4[%add3A, %dma_start3A_39, %dma_start3A_40] : memref<32x86x128xi32, #tpu.memory_space<hbm>> -> memref<1x86x128xi32, #tpu.memory_space<hbm>>
      %dma_start3A_42 = tpu.memref_squeeze %dma_start3A_41 : memref<1x86x128xi32, #tpu.memory_space<hbm>> -> memref<86x128xi32, #tpu.memory_space<hbm>>
      tpu.enqueue_dma source(%dma_start3A_42 : memref<86x128xi32, #tpu.memory_space<hbm>>) target(%arg7 : memref<86x128xi32, #tpu.memory_space<vmem>>) target_semaphore(%run_scoped3A : memref<!tpu.dma_semaphore, #tpu.memory_space<semaphore_mem>>)
      %dma_wait3A = arith.constant 0 : i32
      %dma_wait3A_43 = arith.constant 0 : i32
      %dma_wait3A_44 = tpu.memref_slice %arg4[%add3A, %dma_wait3A, %dma_wait3A_43] : memref<32x86x128xi32, #tpu.memory_space<hbm>> -> memref<1x86x128xi32, #tpu.memory_space<hbm>>
      %dma_wait3A_45 = tpu.memref_squeeze %dma_wait3A_44 : memref<1x86x128xi32, #tpu.memory_space<hbm>> -> memref<86x128xi32, #tpu.memory_space<hbm>>
      %dma_wait3A_46 = arith.constant 0 : i32
      %dma_wait3A_47 = arith.constant 0 : i32
      %dma_wait3A_48 = tpu.memref_slice %arg4[%add3A, %dma_wait3A_46, %dma_wait3A_47] : memref<32x86x128xi32, #tpu.memory_space<hbm>> -> memref<1x86x128xi32, #tpu.memory_space<hbm>>
      %dma_wait3A_49 = tpu.memref_squeeze %dma_wait3A_48 : memref<1x86x128xi32, #tpu.memory_space<hbm>> -> memref<86x128xi32, #tpu.memory_space<hbm>>
      tpu.wait_dma2 semaphore(%run_scoped3A : memref<!tpu.dma_semaphore, #tpu.memory_space<semaphore_mem>>) src(%dma_wait3A_49 : memref<86x128xi32, #tpu.memory_space<hbm>>) dst(%arg7 : memref<86x128xi32, #tpu.memory_space<vmem>>)
      tpu.yield
    }) : () -> ()
    %barrier3A = arith.constant 0 : index
    tpu.barrier barrier_id(%barrier3A)
    %while3A = arith.constant 0 : i32
    %while3A_17 = arith.constant 0 : i32
    %while3A_18 = arith.subi %select_n3A, %while3A : i32
    %while3A_19 = arith.addi %while3A, %while3A_18 : i32
    %while3A_20 = arith.constant 1 : i32
    %while3A_21 = arith.divsi %while3A_18, %while3A_20 : i32
    %while3A_22 = arith.muli %while3A_21, %while3A_20 : i32
    %while3A_23 = arith.addi %while3A, %while3A_22 : i32
    %while3A_24 = arith.constant 1 : i32
    %while3A_25 = scf.for %while3A_36 = %while3A to %while3A_23 step %while3A_24 iter_args(%while3A_37 = %while3A_17) -> (i32)  : i32 {
      %dma_start3A = arith.constant 0 : i32
      %dma_start3A_38 = tpu.memref_slice %arg6[%while3A_36, %dma_start3A] : memref<86x128xi32, #tpu.memory_space<vmem>> -> memref<1x128xi32, #tpu.memory_space<vmem>>
      %dma_start3A_39 = tpu.memref_squeeze %dma_start3A_38 : memref<1x128xi32, #tpu.memory_space<vmem>> -> memref<128xi32, #tpu.memory_space<vmem>>
      %dma_start3A_40 = arith.constant 0 : i32
      %dma_start3A_41 = arith.constant 0 : i32
      %dma_start3A_42 = tpu.memref_slice %arg2[%dma_start3A_40, %dma_start3A_41] : memref<10240x128xf32, #tpu.memory_space<hbm>> -> memref<10240x128xf32, #tpu.memory_space<hbm>>
      tpu.enqueue_indirect_dma source(%dma_start3A_42 : memref<10240x128xf32, #tpu.memory_space<hbm>>) target(%arg8 : memref<128x128xf32, #tpu.memory_space<vmem>>) offsets(%dma_start3A_39 : memref<128xi32, #tpu.memory_space<vmem>>) semaphore(%arg10 : memref<!tpu.dma_semaphore, #tpu.memory_space<semaphore_mem>>)
      %dma_wait3A = arith.constant 0 : i32
      %dma_wait3A_43 = tpu.memref_slice %arg6[%while3A_36, %dma_wait3A] : memref<86x128xi32, #tpu.memory_space<vmem>> -> memref<1x128xi32, #tpu.memory_space<vmem>>
      %dma_wait3A_44 = tpu.memref_squeeze %dma_wait3A_43 : memref<1x128xi32, #tpu.memory_space<vmem>> -> memref<128xi32, #tpu.memory_space<vmem>>
      %dma_wait3A_45 = arith.constant 0 : i32
      %dma_wait3A_46 = arith.constant 0 : i32
      %dma_wait3A_47 = tpu.memref_slice %arg2[%dma_wait3A_45, %dma_wait3A_46] : memref<10240x128xf32, #tpu.memory_space<hbm>> -> memref<10240x128xf32, #tpu.memory_space<hbm>>
      tpu.wait_indirect_dma semaphore(%arg10 : memref<!tpu.dma_semaphore, #tpu.memory_space<semaphore_mem>>) src(%dma_wait3A_47 : memref<10240x128xf32, #tpu.memory_space<hbm>>) dst(%arg8 : memref<128x128xf32, #tpu.memory_space<vmem>>)
      "tpu.region"() ({
        %run_scoped3A = tpu.sem_alloc : memref<!tpu.dma_semaphore, #tpu.memory_space<semaphore_mem>>
        %dma_start3A_49 = arith.constant 0 : i32
        %dma_start3A_50 = tpu.memref_slice %arg7[%while3A_36, %dma_start3A_49] : memref<86x128xi32, #tpu.memory_space<vmem>> -> memref<1x128xi32, #tpu.memory_space<vmem>>
        %dma_start3A_51 = tpu.memref_squeeze %dma_start3A_50 : memref<1x128xi32, #tpu.memory_space<vmem>> -> memref<128xi32, #tpu.memory_space<vmem>>
        %dma_start3A_52 = arith.constant 0 : i32
        %dma_start3A_53 = arith.constant 0 : i32
        %dma_start3A_54 = tpu.memref_slice %arg9[%dma_start3A_52, %dma_start3A_53] : memref<10240x128xf32, #tpu.memory_space<vmem_shared>> -> memref<10240x128xf32, #tpu.memory_space<vmem_shared>>
        tpu.enqueue_indirect_dma source(%arg8 : memref<128x128xf32, #tpu.memory_space<vmem>>) target(%dma_start3A_54 : memref<10240x128xf32, #tpu.memory_space<vmem_shared>>) offsets(%dma_start3A_51 : memref<128xi32, #tpu.memory_space<vmem>>) semaphore(%run_scoped3A : memref<!tpu.dma_semaphore, #tpu.memory_space<semaphore_mem>>) {add = true}
        %dma_wait3A_55 = arith.constant 0 : i32
        %dma_wait3A_56 = tpu.memref_slice %arg7[%while3A_36, %dma_wait3A_55] : memref<86x128xi32, #tpu.memory_space<vmem>> -> memref<1x128xi32, #tpu.memory_space<vmem>>
        %dma_wait3A_57 = tpu.memref_squeeze %dma_wait3A_56 : memref<1x128xi32, #tpu.memory_space<vmem>> -> memref<128xi32, #tpu.memory_space<vmem>>
        %dma_wait3A_58 = arith.constant 0 : i32
        %dma_wait3A_59 = arith.constant 0 : i32
        %dma_wait3A_60 = tpu.memref_slice %arg9[%dma_wait3A_58, %dma_wait3A_59] : memref<10240x128xf32, #tpu.memory_space<vmem_shared>> -> memref<10240x128xf32, #tpu.memory_space<vmem_shared>>
        tpu.wait_indirect_dma semaphore(%run_scoped3A : memref<!tpu.dma_semaphore, #tpu.memory_space<semaphore_mem>>) src(%arg8 : memref<128x128xf32, #tpu.memory_space<vmem>>) dst(%dma_wait3A_60 : memref<10240x128xf32, #tpu.memory_space<vmem_shared>>)
        tpu.yield
      }) : () -> ()
      %while3A_48 = arith.constant 0 : i32
      scf.yield %while3A_48 : i32
    }
    %while3A_26 = arith.constant 1 : i32
    %while3A_27 = scf.for %while3A_36 = %while3A_23 to %while3A_19 step %while3A_26 iter_args(%while3A_37 = %while3A_25) -> (i32)  : i32 {
      %dma_start3A = arith.constant 0 : i32
      %dma_start3A_38 = tpu.memref_slice %arg6[%while3A_36, %dma_start3A] : memref<86x128xi32, #tpu.memory_space<vmem>> -> memref<1x128xi32, #tpu.memory_space<vmem>>
      %dma_start3A_39 = tpu.memref_squeeze %dma_start3A_38 : memref<1x128xi32, #tpu.memory_space<vmem>> -> memref<128xi32, #tpu.memory_space<vmem>>
      %dma_start3A_40 = arith.constant 0 : i32
      %dma_start3A_41 = arith.constant 0 : i32
      %dma_start3A_42 = tpu.memref_slice %arg2[%dma_start3A_40, %dma_start3A_41] : memref<10240x128xf32, #tpu.memory_space<hbm>> -> memref<10240x128xf32, #tpu.memory_space<hbm>>
      tpu.enqueue_indirect_dma source(%dma_start3A_42 : memref<10240x128xf32, #tpu.memory_space<hbm>>) target(%arg8 : memref<128x128xf32, #tpu.memory_space<vmem>>) offsets(%dma_start3A_39 : memref<128xi32, #tpu.memory_space<vmem>>) semaphore(%arg10 : memref<!tpu.dma_semaphore, #tpu.memory_space<semaphore_mem>>)
      %dma_wait3A = arith.constant 0 : i32
      %dma_wait3A_43 = tpu.memref_slice %arg6[%while3A_36, %dma_wait3A] : memref<86x128xi32, #tpu.memory_space<vmem>> -> memref<1x128xi32, #tpu.memory_space<vmem>>
      %dma_wait3A_44 = tpu.memref_squeeze %dma_wait3A_43 : memref<1x128xi32, #tpu.memory_space<vmem>> -> memref<128xi32, #tpu.memory_space<vmem>>
      %dma_wait3A_45 = arith.constant 0 : i32
      %dma_wait3A_46 = arith.constant 0 : i32
      %dma_wait3A_47 = tpu.memref_slice %arg2[%dma_wait3A_45, %dma_wait3A_46] : memref<10240x128xf32, #tpu.memory_space<hbm>> -> memref<10240x128xf32, #tpu.memory_space<hbm>>
      tpu.wait_indirect_dma semaphore(%arg10 : memref<!tpu.dma_semaphore, #tpu.memory_space<semaphore_mem>>) src(%dma_wait3A_47 : memref<10240x128xf32, #tpu.memory_space<hbm>>) dst(%arg8 : memref<128x128xf32, #tpu.memory_space<vmem>>)
      "tpu.region"() ({
        %run_scoped3A = tpu.sem_alloc : memref<!tpu.dma_semaphore, #tpu.memory_space<semaphore_mem>>
        %dma_start3A_49 = arith.constant 0 : i32
        %dma_start3A_50 = tpu.memref_slice %arg7[%while3A_36, %dma_start3A_49] : memref<86x128xi32, #tpu.memory_space<vmem>> -> memref<1x128xi32, #tpu.memory_space<vmem>>
        %dma_start3A_51 = tpu.memref_squeeze %dma_start3A_50 : memref<1x128xi32, #tpu.memory_space<vmem>> -> memref<128xi32, #tpu.memory_space<vmem>>
        %dma_start3A_52 = arith.constant 0 : i32
        %dma_start3A_53 = arith.constant 0 : i32
        %dma_start3A_54 = tpu.memref_slice %arg9[%dma_start3A_52, %dma_start3A_53] : memref<10240x128xf32, #tpu.memory_space<vmem_shared>> -> memref<10240x128xf32, #tpu.memory_space<vmem_shared>>
        tpu.enqueue_indirect_dma source(%arg8 : memref<128x128xf32, #tpu.memory_space<vmem>>) target(%dma_start3A_54 : memref<10240x128xf32, #tpu.memory_space<vmem_shared>>) offsets(%dma_start3A_51 : memref<128xi32, #tpu.memory_space<vmem>>) semaphore(%run_scoped3A : memref<!tpu.dma_semaphore, #tpu.memory_space<semaphore_mem>>) {add = true}
        %dma_wait3A_55 = arith.constant 0 : i32
        %dma_wait3A_56 = tpu.memref_slice %arg7[%while3A_36, %dma_wait3A_55] : memref<86x128xi32, #tpu.memory_space<vmem>> -> memref<1x128xi32, #tpu.memory_space<vmem>>
        %dma_wait3A_57 = tpu.memref_squeeze %dma_wait3A_56 : memref<1x128xi32, #tpu.memory_space<vmem>> -> memref<128xi32, #tpu.memory_space<vmem>>
        %dma_wait3A_58 = arith.constant 0 : i32
        %dma_wait3A_59 = arith.constant 0 : i32
        %dma_wait3A_60 = tpu.memref_slice %arg9[%dma_wait3A_58, %dma_wait3A_59] : memref<10240x128xf32, #tpu.memory_space<vmem_shared>> -> memref<10240x128xf32, #tpu.memory_space<vmem_shared>>
        tpu.wait_indirect_dma semaphore(%run_scoped3A : memref<!tpu.dma_semaphore, #tpu.memory_space<semaphore_mem>>) src(%arg8 : memref<128x128xf32, #tpu.memory_space<vmem>>) dst(%dma_wait3A_60 : memref<10240x128xf32, #tpu.memory_space<vmem_shared>>)
        tpu.yield
      }) : () -> ()
      %while3A_48 = arith.constant 0 : i32
      scf.yield %while3A_48 : i32
    }
    %barrier3A_28 = arith.constant 0 : index
    tpu.barrier barrier_id(%barrier3A_28)
    %scan3A_29 = arith.constant 0 : i32
    %scan3A_30 = arith.constant 0 : i32
    %scan3A_31 = arith.constant 5 : i32
    %scan3A_32 = arith.addi %scan3A_30, %scan3A_31 : i32
    %scan3A_33 = arith.constant 1 : i32
    %scan3A_34 = scf.for %scan3A_36 = %scan3A_30 to %scan3A_32 step %scan3A_33 iter_args(%scan3A_37 = %scan3A_29) -> (i32)  : i32 {
      %mul3A_38 = arith.constant 640 : i32
      %mul3A_39 = arith.muli %arg1, %mul3A_38 : i32
      %mul3A_40 = arith.constant 128 : i32
      %mul3A_41 = arith.muli %scan3A_36, %mul3A_40 : i32
      %add3A_42 = arith.addi %mul3A_39, %mul3A_41 : i32
      "tpu.region"() ({
        %run_scoped3A = tpu.sem_alloc : memref<!tpu.dma_semaphore, #tpu.memory_space<semaphore_mem>>
        %dma_start3A = arith.constant 0 : i32
        %dma_start3A_44 = tpu.memref_slice %arg9[%add3A_42, %dma_start3A] : memref<10240x128xf32, #tpu.memory_space<vmem_shared>> -> memref<128x128xf32, #tpu.memory_space<vmem_shared>>
        %dma_start3A_45 = arith.constant 0 : i32
        %dma_start3A_46 = tpu.memref_slice %arg9[%add3A_42, %dma_start3A_45] : memref<10240x128xf32, #tpu.memory_space<vmem_shared>> -> memref<128x128xf32, #tpu.memory_space<vmem_shared>>
        tpu.enqueue_dma source(%dma_start3A_46 : memref<128x128xf32, #tpu.memory_space<vmem_shared>>) target(%arg8 : memref<128x128xf32, #tpu.memory_space<vmem>>) target_semaphore(%run_scoped3A : memref<!tpu.dma_semaphore, #tpu.memory_space<semaphore_mem>>)
        %dma_wait3A = arith.constant 0 : i32
        %dma_wait3A_47 = tpu.memref_slice %arg9[%add3A_42, %dma_wait3A] : memref<10240x128xf32, #tpu.memory_space<vmem_shared>> -> memref<128x128xf32, #tpu.memory_space<vmem_shared>>
        %dma_wait3A_48 = arith.constant 0 : i32
        %dma_wait3A_49 = tpu.memref_slice %arg9[%add3A_42, %dma_wait3A_48] : memref<10240x128xf32, #tpu.memory_space<vmem_shared>> -> memref<128x128xf32, #tpu.memory_space<vmem_shared>>
        tpu.wait_dma2 semaphore(%run_scoped3A : memref<!tpu.dma_semaphore, #tpu.memory_space<semaphore_mem>>) src(%dma_wait3A_49 : memref<128x128xf32, #tpu.memory_space<vmem_shared>>) dst(%arg8 : memref<128x128xf32, #tpu.memory_space<vmem>>)
        tpu.yield
      }) : () -> ()
      "tpu.region"() ({
        %run_scoped3A = tpu.sem_alloc : memref<!tpu.dma_semaphore, #tpu.memory_space<semaphore_mem>>
        %dma_start3A = arith.constant 0 : i32
        %dma_start3A_44 = tpu.memref_slice %arg5[%arg0, %add3A_42, %dma_start3A] : memref<2x10240x128xf32, #tpu.memory_space<hbm>> -> memref<1x128x128xf32, #tpu.memory_space<hbm>>
        %dma_start3A_45 = tpu.memref_squeeze %dma_start3A_44 : memref<1x128x128xf32, #tpu.memory_space<hbm>> -> memref<128x128xf32, #tpu.memory_space<hbm>>
        %dma_start3A_46 = arith.constant 0 : i32
        %dma_start3A_47 = tpu.memref_slice %arg5[%arg0, %add3A_42, %dma_start3A_46] : memref<2x10240x128xf32, #tpu.memory_space<hbm>> -> memref<1x128x128xf32, #tpu.memory_space<hbm>>
        %dma_start3A_48 = tpu.memref_squeeze %dma_start3A_47 : memref<1x128x128xf32, #tpu.memory_space<hbm>> -> memref<128x128xf32, #tpu.memory_space<hbm>>
        tpu.enqueue_dma source(%arg8 : memref<128x128xf32, #tpu.memory_space<vmem>>) target(%dma_start3A_48 : memref<128x128xf32, #tpu.memory_space<hbm>>) target_semaphore(%run_scoped3A : memref<!tpu.dma_semaphore, #tpu.memory_space<semaphore_mem>>)
        %dma_wait3A = arith.constant 0 : i32
        %dma_wait3A_49 = tpu.memref_slice %arg5[%arg0, %add3A_42, %dma_wait3A] : memref<2x10240x128xf32, #tpu.memory_space<hbm>> -> memref<1x128x128xf32, #tpu.memory_space<hbm>>
        %dma_wait3A_50 = tpu.memref_squeeze %dma_wait3A_49 : memref<1x128x128xf32, #tpu.memory_space<hbm>> -> memref<128x128xf32, #tpu.memory_space<hbm>>
        %dma_wait3A_51 = arith.constant 0 : i32
        %dma_wait3A_52 = tpu.memref_slice %arg5[%arg0, %add3A_42, %dma_wait3A_51] : memref<2x10240x128xf32, #tpu.memory_space<hbm>> -> memref<1x128x128xf32, #tpu.memory_space<hbm>>
        %dma_wait3A_53 = tpu.memref_squeeze %dma_wait3A_52 : memref<1x128x128xf32, #tpu.memory_space<hbm>> -> memref<128x128xf32, #tpu.memory_space<hbm>>
        tpu.wait_dma2 semaphore(%run_scoped3A : memref<!tpu.dma_semaphore, #tpu.memory_space<semaphore_mem>>) src(%arg8 : memref<128x128xf32, #tpu.memory_space<vmem>>) dst(%dma_wait3A_53 : memref<128x128xf32, #tpu.memory_space<hbm>>)
        tpu.yield
      }) : () -> ()
      %scan3A_43 = arith.constant 0 : i32
      scf.yield %scan3A_43 : i32
    }
    %scan3A_35 = arith.constant 5 : i32
    return
  }
}

module attributes {stable_mosaic.version = 14 : i64} {
  func.func @_s1_body(%arg0: i32, %arg1: memref<2x256x1xf32, #tpu.memory_space<vmem>>, %arg2: memref<256x128xf32, #tpu.memory_space<vmem>>, %arg3: memref<256x1xf32, #tpu.memory_space<vmem>>, %arg4: memref<256x128xf32, #tpu.memory_space<vmem>>) attributes {dimension_semantics = [#tpu.dimension_semantics<arbitrary>], iteration_bounds = array<i64: 40>, scalar_prefetch = 0 : i64, scratch_operands = 0 : i64, tpu.core_type = #tpu.core_type<tc>, window_params = [{transform_indices = @transform_0, window_bounds = array<i64: 2, 256, 1>}, {transform_indices = @transform_1, window_bounds = array<i64: 256, 128>}, {transform_indices = @transform_2, window_bounds = array<i64: 256, 1>}, {transform_indices = @transform_3, window_bounds = array<i64: 256, 128>}]} {
    %get3A = arith.constant 0 : index
    %get3A_0 = arith.constant 0 : index
    %get3A_1 = arith.constant 0 : index
    %get3A_2 = vector.load %arg1[%get3A, %get3A_0, %get3A_1] : memref<2x256x1xf32, #tpu.memory_space<vmem>>, vector<1x256x1xf32>
    %get3A_3 = vector.shape_cast %get3A_2 : vector<1x256x1xf32> to vector<256x1xf32>
    %get3A_4 = arith.constant 1 : index
    %get3A_5 = arith.constant 0 : index
    %get3A_6 = arith.constant 0 : index
    %get3A_7 = vector.load %arg1[%get3A_4, %get3A_5, %get3A_6] : memref<2x256x1xf32, #tpu.memory_space<vmem>>, vector<1x256x1xf32>
    %get3A_8 = vector.shape_cast %get3A_7 : vector<1x256x1xf32> to vector<256x1xf32>
    %add3A = arith.addf %get3A_3, %get3A_8 : vector<256x1xf32>
    %add3A_9 = arith.constant 1.000000e+00 : f32
    %add3A_10 = vector.broadcast %add3A_9 : f32 to vector<256x1xf32>
    %add3A_11 = arith.addf %add3A, %add3A_10 : vector<256x1xf32>
    %rsqrt3A = math.rsqrt %add3A_11 : vector<256x1xf32>
    %swap3A = arith.constant 0 : index
    %swap3A_12 = arith.constant 0 : index
    %swap3A_13 = vector.load %arg3[%swap3A, %swap3A_12] : memref<256x1xf32, #tpu.memory_space<vmem>>, vector<256x1xf32>
    tpu.vector_store %arg3[%swap3A, %swap3A_12], %rsqrt3A {strides = array<i32>} : memref<256x1xf32, #tpu.memory_space<vmem>>, vector<256x1xf32>,
    %get3A_14 = arith.constant 0 : index
    %get3A_15 = arith.constant 0 : index
    %get3A_16 = vector.load %arg2[%get3A_14, %get3A_15] : memref<256x128xf32, #tpu.memory_space<vmem>>, vector<256x128xf32>
    %mul3A = vector.broadcast %rsqrt3A : vector<256x1xf32> to vector<256x128xf32>
    %mul3A_17 = arith.mulf %get3A_16, %mul3A : vector<256x128xf32>
    %swap3A_18 = arith.constant 0 : index
    %swap3A_19 = arith.constant 0 : index
    %swap3A_20 = vector.load %arg4[%swap3A_18, %swap3A_19] : memref<256x128xf32, #tpu.memory_space<vmem>>, vector<256x128xf32>
    tpu.vector_store %arg4[%swap3A_18, %swap3A_19], %mul3A_17 {strides = array<i32>} : memref<256x128xf32, #tpu.memory_space<vmem>>, vector<256x128xf32>,
    return
  }
  func.func @transform_0(%arg0: i32) -> (i32, i32, i32) {
    %c0_i32 = arith.constant 0 : i32
    %c0_i32_0 = arith.constant 0 : i32
    %c0_i32_1 = arith.constant 0 : i32
    return %c0_i32, %arg0, %c0_i32_0 : i32, i32, i32
  }
  func.func @transform_1(%arg0: i32) -> (i32, i32) {
    %c0_i32 = arith.constant 0 : i32
    %c0_i32_0 = arith.constant 0 : i32
    return %arg0, %c0_i32 : i32, i32
  }
  func.func @transform_2(%arg0: i32) -> (i32, i32) {
    %c0_i32 = arith.constant 0 : i32
    %c0_i32_0 = arith.constant 0 : i32
    return %arg0, %c0_i32 : i32, i32
  }
  func.func @transform_3(%arg0: i32) -> (i32, i32) {
    %c0_i32 = arith.constant 0 : i32
    %c0_i32_0 = arith.constant 0 : i32
    return %arg0, %c0_i32 : i32, i32
  }
}

module attributes {stable_mosaic.version = 14 : i64} {
  func.func @_s3_body(%arg0: i32, %arg1: memref<256x128xf32, #tpu.memory_space<vmem>>, %arg2: memref<256x128xf32, #tpu.memory_space<vmem>>, %arg3: memref<256x128xf32, #tpu.memory_space<vmem>>, %arg4: memref<256x1xf32, #tpu.memory_space<vmem>>, %arg5: memref<128x256xf32, #tpu.memory_space<vmem>>, %arg6: memref<1x256xf32, #tpu.memory_space<vmem>>, %arg7: memref<256x128xf32, #tpu.memory_space<vmem>>, %arg8: memref<256x128xf32, #tpu.memory_space<vmem>>) attributes {dimension_semantics = [#tpu.dimension_semantics<arbitrary>], iteration_bounds = array<i64: 40>, scalar_prefetch = 0 : i64, scratch_operands = 0 : i64, tpu.core_type = #tpu.core_type<tc>, window_params = [{transform_indices = @transform_0, window_bounds = array<i64: 256, 128>}, {transform_indices = @transform_1, window_bounds = array<i64: 256, 128>}, {transform_indices = @transform_2, window_bounds = array<i64: 256, 128>}, {transform_indices = @transform_3, window_bounds = array<i64: 256, 1>}, {pipeline_mode = #tpu.pipeline_mode<synchronous>, transform_indices = @transform_4, window_bounds = array<i64: 128, 256>}, {pipeline_mode = #tpu.pipeline_mode<synchronous>, transform_indices = @transform_5, window_bounds = array<i64: 1, 256>}, {pipeline_mode = #tpu.pipeline_mode<synchronous>, transform_indices = @transform_6, window_bounds = array<i64: 256, 128>}, {transform_indices = @transform_7, window_bounds = array<i64: 256, 128>}]} {
    %get3A = arith.constant 0 : index
    %get3A_0 = arith.constant 0 : index
    %get3A_1 = vector.load %arg1[%get3A, %get3A_0] : memref<256x128xf32, #tpu.memory_space<vmem>>, vector<256x128xf32>
    %get3A_2 = arith.constant 0 : index
    %get3A_3 = arith.constant 0 : index
    %get3A_4 = vector.load %arg2[%get3A_2, %get3A_3] : memref<256x128xf32, #tpu.memory_space<vmem>>, vector<256x128xf32>
    %add3A = arith.addf %get3A_1, %get3A_4 : vector<256x128xf32>
    %get3A_5 = arith.constant 0 : index
    %get3A_6 = arith.constant 0 : index
    %get3A_7 = vector.load %arg3[%get3A_5, %get3A_6] : memref<256x128xf32, #tpu.memory_space<vmem>>, vector<256x128xf32>
    %add3A_8 = arith.addf %add3A, %get3A_7 : vector<256x128xf32>
    %get3A_9 = arith.constant 0 : index
    %get3A_10 = arith.constant 0 : index
    %get3A_11 = vector.load %arg4[%get3A_9, %get3A_10] : memref<256x1xf32, #tpu.memory_space<vmem>>, vector<256x1xf32>
    %mul3A = vector.broadcast %get3A_11 : vector<256x1xf32> to vector<256x128xf32>
    %mul3A_12 = arith.mulf %add3A_8, %mul3A : vector<256x128xf32>
    %get3A_13 = arith.constant 0 : index
    %get3A_14 = arith.constant 0 : index
    %get3A_15 = vector.load %arg5[%get3A_13, %get3A_14] : memref<128x256xf32, #tpu.memory_space<vmem>>, vector<128x256xf32>
    %dot_general3A = arith.constant dense<0.000000e+00> : vector<256x256xf32>
    %dot_general3A_16 = tpu.matmul %mul3A_12, %get3A_15, %dot_general3A {dimension_numbers = #tpu.dot_dimension_numbers<[1], [0], [0], [1], [0, 0, 1, 1], [], []>, transpose_lhs_hint = false} : vector<256x128xf32>, vector<128x256xf32>, vector<256x256xf32> -> vector<256x256xf32>
    %get3A_17 = arith.constant 0 : index
    %get3A_18 = arith.constant 0 : index
    %get3A_19 = vector.load %arg6[%get3A_17, %get3A_18] : memref<1x256xf32, #tpu.memory_space<vmem>>, vector<1x256xf32>
    %add3A_20 = vector.broadcast %get3A_19 : vector<1x256xf32> to vector<256x256xf32>
    %add3A_21 = arith.addf %dot_general3A_16, %add3A_20 : vector<256x256xf32>
    %max3A = arith.constant 0.000000e+00 : f32
    %max3A_22 = vector.broadcast %max3A : f32 to vector<256x256xf32>
    %max3A_23 = arith.maximumf %add3A_21, %max3A_22 : vector<256x256xf32>
    %get3A_24 = arith.constant 0 : index
    %get3A_25 = arith.constant 0 : index
    %get3A_26 = vector.load %arg7[%get3A_24, %get3A_25] : memref<256x128xf32, #tpu.memory_space<vmem>>, vector<256x128xf32>
    %dot_general3A_27 = arith.constant dense<0.000000e+00> : vector<256x128xf32>
    %dot_general3A_28 = tpu.matmul %max3A_23, %get3A_26, %dot_general3A_27 {dimension_numbers = #tpu.dot_dimension_numbers<[1], [0], [0], [1], [0, 0, 1, 1], [], []>, transpose_lhs_hint = false} : vector<256x256xf32>, vector<256x128xf32>, vector<256x128xf32> -> vector<256x128xf32>
    %get3A_29 = arith.constant 0 : index
    %get3A_30 = arith.constant 0 : index
    %get3A_31 = vector.load %arg4[%get3A_29, %get3A_30] : memref<256x1xf32, #tpu.memory_space<vmem>>, vector<256x1xf32>
    %mul3A_32 = vector.broadcast %get3A_31 : vector<256x1xf32> to vector<256x128xf32>
    %mul3A_33 = arith.mulf %dot_general3A_28, %mul3A_32 : vector<256x128xf32>
    %swap3A = arith.constant 0 : index
    %swap3A_34 = arith.constant 0 : index
    %swap3A_35 = vector.load %arg8[%swap3A, %swap3A_34] : memref<256x128xf32, #tpu.memory_space<vmem>>, vector<256x128xf32>
    tpu.vector_store %arg8[%swap3A, %swap3A_34], %mul3A_33 {strides = array<i32>} : memref<256x128xf32, #tpu.memory_space<vmem>>, vector<256x128xf32>,
    return
  }
  func.func @transform_0(%arg0: i32) -> (i32, i32) {
    %c0_i32 = arith.constant 0 : i32
    %c0_i32_0 = arith.constant 0 : i32
    return %arg0, %c0_i32 : i32, i32
  }
  func.func @transform_1(%arg0: i32) -> (i32, i32) {
    %c0_i32 = arith.constant 0 : i32
    %c0_i32_0 = arith.constant 0 : i32
    return %arg0, %c0_i32 : i32, i32
  }
  func.func @transform_2(%arg0: i32) -> (i32, i32) {
    %c0_i32 = arith.constant 0 : i32
    %c0_i32_0 = arith.constant 0 : i32
    return %arg0, %c0_i32 : i32, i32
  }
  func.func @transform_3(%arg0: i32) -> (i32, i32) {
    %c0_i32 = arith.constant 0 : i32
    %c0_i32_0 = arith.constant 0 : i32
    return %arg0, %c0_i32 : i32, i32
  }
  func.func @transform_4(%arg0: i32) -> (i32, i32) {
    %c0_i32 = arith.constant 0 : i32
    %c0_i32_0 = arith.constant 0 : i32
    %c0_i32_1 = arith.constant 0 : i32
    return %c0_i32, %c0_i32_0 : i32, i32
  }
  func.func @transform_5(%arg0: i32) -> (i32, i32) {
    %c0_i32 = arith.constant 0 : i32
    %c0_i32_0 = arith.constant 0 : i32
    %c0_i32_1 = arith.constant 0 : i32
    return %c0_i32, %c0_i32_0 : i32, i32
  }
  func.func @transform_6(%arg0: i32) -> (i32, i32) {
    %c0_i32 = arith.constant 0 : i32
    %c0_i32_0 = arith.constant 0 : i32
    %c0_i32_1 = arith.constant 0 : i32
    return %c0_i32, %c0_i32_0 : i32, i32
  }
  func.func @transform_7(%arg0: i32) -> (i32, i32) {
    %c0_i32 = arith.constant 0 : i32
    %c0_i32_0 = arith.constant 0 : i32
    return %arg0, %c0_i32 : i32, i32
  }
}

module attributes {stable_mosaic.version = 14 : i64} {
  func.func @_s5_body(%arg0: i32, %arg1: memref<256x128xf32, #tpu.memory_space<vmem>>, %arg2: memref<256x128xf32, #tpu.memory_space<vmem>>, %arg3: memref<256x128xf32, #tpu.memory_space<vmem>>, %arg4: memref<256x1xf32, #tpu.memory_space<vmem>>, %arg5: memref<1x128xf32, #tpu.memory_space<vmem>>, %arg6: memref<256x128xf32, #tpu.memory_space<vmem>>) attributes {dimension_semantics = [#tpu.dimension_semantics<arbitrary>], iteration_bounds = array<i64: 40>, scalar_prefetch = 0 : i64, scratch_operands = 0 : i64, tpu.core_type = #tpu.core_type<tc>, window_params = [{transform_indices = @transform_0, window_bounds = array<i64: 256, 128>}, {transform_indices = @transform_1, window_bounds = array<i64: 256, 128>}, {transform_indices = @transform_2, window_bounds = array<i64: 256, 128>}, {transform_indices = @transform_3, window_bounds = array<i64: 256, 1>}, {pipeline_mode = #tpu.pipeline_mode<synchronous>, transform_indices = @transform_4, window_bounds = array<i64: 1, 128>}, {transform_indices = @transform_5, window_bounds = array<i64: 256, 128>}]} {
    %get3A = arith.constant 0 : index
    %get3A_0 = arith.constant 0 : index
    %get3A_1 = vector.load %arg1[%get3A, %get3A_0] : memref<256x128xf32, #tpu.memory_space<vmem>>, vector<256x128xf32>
    %get3A_2 = arith.constant 0 : index
    %get3A_3 = arith.constant 0 : index
    %get3A_4 = vector.load %arg2[%get3A_2, %get3A_3] : memref<256x128xf32, #tpu.memory_space<vmem>>, vector<256x128xf32>
    %add3A = arith.addf %get3A_1, %get3A_4 : vector<256x128xf32>
    %get3A_5 = arith.constant 0 : index
    %get3A_6 = arith.constant 0 : index
    %get3A_7 = vector.load %arg3[%get3A_5, %get3A_6] : memref<256x128xf32, #tpu.memory_space<vmem>>, vector<256x128xf32>
    %add3A_8 = arith.addf %add3A, %get3A_7 : vector<256x128xf32>
    %get3A_9 = arith.constant 0 : index
    %get3A_10 = arith.constant 0 : index
    %get3A_11 = vector.load %arg4[%get3A_9, %get3A_10] : memref<256x1xf32, #tpu.memory_space<vmem>>, vector<256x1xf32>
    %mul3A = vector.broadcast %get3A_11 : vector<256x1xf32> to vector<256x128xf32>
    %mul3A_12 = arith.mulf %add3A_8, %mul3A : vector<256x128xf32>
    %get3A_13 = arith.constant 0 : index
    %get3A_14 = arith.constant 0 : index
    %get3A_15 = vector.load %arg5[%get3A_13, %get3A_14] : memref<1x128xf32, #tpu.memory_space<vmem>>, vector<1x128xf32>
    %add3A_16 = vector.broadcast %get3A_15 : vector<1x128xf32> to vector<256x128xf32>
    %add3A_17 = arith.addf %mul3A_12, %add3A_16 : vector<256x128xf32>
    %swap3A = arith.constant 0 : index
    %swap3A_18 = arith.constant 0 : index
    %swap3A_19 = vector.load %arg6[%swap3A, %swap3A_18] : memref<256x128xf32, #tpu.memory_space<vmem>>, vector<256x128xf32>
    tpu.vector_store %arg6[%swap3A, %swap3A_18], %add3A_17 {strides = array<i32>} : memref<256x128xf32, #tpu.memory_space<vmem>>, vector<256x128xf32>,
    return
  }
  func.func @transform_0(%arg0: i32) -> (i32, i32) {
    %c0_i32 = arith.constant 0 : i32
    %c0_i32_0 = arith.constant 0 : i32
    return %arg0, %c0_i32 : i32, i32
  }
  func.func @transform_1(%arg0: i32) -> (i32, i32) {
    %c0_i32 = arith.constant 0 : i32
    %c0_i32_0 = arith.constant 0 : i32
    return %arg0, %c0_i32 : i32, i32
  }
  func.func @transform_2(%arg0: i32) -> (i32, i32) {
    %c0_i32 = arith.constant 0 : i32
    %c0_i32_0 = arith.constant 0 : i32
    return %arg0, %c0_i32 : i32, i32
  }
  func.func @transform_3(%arg0: i32) -> (i32, i32) {
    %c0_i32 = arith.constant 0 : i32
    %c0_i32_0 = arith.constant 0 : i32
    return %arg0, %c0_i32 : i32, i32
  }
  func.func @transform_4(%arg0: i32) -> (i32, i32) {
    %c0_i32 = arith.constant 0 : i32
    %c0_i32_0 = arith.constant 0 : i32
    %c0_i32_1 = arith.constant 0 : i32
    return %c0_i32, %c0_i32_0 : i32, i32
  }
  func.func @transform_5(%arg0: i32) -> (i32, i32) {
    %c0_i32 = arith.constant 0 : i32
    %c0_i32_0 = arith.constant 0 : i32
    return %arg0, %c0_i32 : i32, i32
  }
}

</mosaic_0001>

<sc_bundles>
// kernel: kernel.11.cloned.1.call-start
scs
__scs_entry_jumppad:
0x0: {  	(pc) =	sbr.rel $0x88, $3  }
0x1: {  	(tag) =	ssettag $0x0;
	lr =	simm.s32 $0x1  }
0x2: {  	[smem:$0x3F9B] =	sst lr;
	_ =	strace $0xD0000000  }
0x3: {  	_ = 	snop  }
0x4: {  	_ = 	snop  }
0x5: {  	_ = 	snop  }
0x6: {  	_ = 	snop  }
0x7: {  	_ = 	snop  }
__scs_overlays_trampoline_lowered:
0x8: {  	[smem:$0x3FAA] =	sst s0  }
0x9: {  	[smem:$0x3FAB] =	sst s1  }
0xa: {  	[smem:$0x3FAC] =	sst s2  }
0xb: {  	[smem:$0x3FAD] =	sst s3  }
0xc: {  	[smem:$0x3FAE] =	sst s4  }
0xd: {  	[smem:$0x3FAF] =	sst s5  }
0xe: {  	[smem:$0x3FB0] =	sst s6  }
0xf: {  	[smem:$0x3FB1] =	sst s7  }
0x10: {  	[smem:$0x3FB2] =	sst s8  }
0x11: {  	[smem:$0x3FB3] =	sst s9;
	s0 =	simm.s32 @!p0 $0x0  }
0x12: {  	s1 =	sld [smem:$0x3F99];
	s0 =	simm.s32 @p0 $0x1  }
0x13: {  	[smem:$0x3FB4] =	sst s0;
	s0 =	simm.s32 @!p1 $0x0  }
0x14: {  	s2 =	sld [smem:$0x3F98];
	s0 =	simm.s32 @p1 $0x1  }
0x15: {  	[smem:$0x3FB5] =	sst s0;
	s0 =	simm.s32 @!p2 $0x0  }
0x16: {  	s3 =	sld [smem:$0x3FDB];
	s0 =	simm.s32 @p2 $0x1  }
0x17: {  	s4 =	simm.s32 $0x1BF5;
	[smem:$0x3FB7] =	sst s0  }
0x18: {  	s0 =	sld [smem:$0x3F9A];
	_ =	swait.ge [sflag:s4], $0x0  }
0x19: {  	s7 =	sld [smem:$0x3F9B]  }
0x1a: {  	s8 =	sadd.s32 $0xFFFFE003, lr  }
0x1b: {  	s9 =	sadd.s32 $0xFFFFFEF7, lr;
	s5 =	simm.s32 $0xFFFFFFFF;
	p2 =	slt.u32 s8, $0xFFFFF086  }
0x1c: {  	p1 =	slt.u32 s9, $0xF7A;
	s5 =	simm.s32 @!p2 $0x0  }
0x1d: {  	s5 =	simm.s32 @p1 $0x1;
	p0 =	seq.s32 s7, s2  }
0x1e: {  	s7 =	smul.u32 @!p0 $0xF7A, s2;
	p2 =	seq.s32 @!p0 s5, $0x0  }
0x1f: {  	s9 =	smul.u32 $0xF7A, s1;
	s8 =	simm.s32 @!p0 $0x1BF5;
	p2 =	por !p2, p0  }
0x20: {  	[sflag:s8] =	ssyncset.s32 @!p0 $0xFFFFF086;
	s6 =	sadd.s32 @!p0 s3, s7;
	s7 =	simm.s32 @!p0 $0x108  }
0x21: {  	s3 =	sadd.s32 s3, s9;
	s6 =	sadd.s32 @!p0 $0x88, s6;
	s7 =	simm.s32 @p2 $0x1082  }
0x22: {  	[simem:s7], [sflag:s8] =	dma.local @!p0 [hbm:s6], $0xF7A  }
0x23: {  	s9 =	sor.u32 $0xD0000000, s2;
	s6 =	simm.s32 $0x108;
	_ =	swait.ge @!p0 [sflag:s8], $0x0  }
0x24: {  	s3 =	sadd.s32 $0x88, s3;
	s6 =	simm.s32 @!p1 $0x1082;
	[sflag:s4] =	ssyncset.s32 $0xFFFFF086  }
0x25: {  	[simem:s6], [sflag:s4] =	dma.local [hbm:s3], $0xF7A  }
0x26: {  	[smem:$0x3F9B] =	sst s1;
	(tag) =	ssettag s2;
	_ =	strace s9  }
0x27: {  	s1 =	sld [smem:$0x3FAB]  }
0x28: {  	s2 =	sld [smem:$0x3FAC]  }
0x29: {  	s4 =	sld [smem:$0x3FAE]  }
0x2a: {  	p0 =	seq.s32 s5, $0x0;
	s5 =	sld [smem:$0x3FAF]  }
0x2b: {  	s6 =	sld [smem:$0x3FB0]  }
0x2c: {  	s7 =	sld [smem:$0x3FB1]  }
0x2d: {  	s3 =	simm.s32 $0x108;
	s8 =	sld [smem:$0x3FB2]  }
0x2e: {  	s3 =	simm.s32 @!p0 $0x1082;
	s9 =	sld [smem:$0x3FB3]  }
0x2f: {  	lr =	sadd.s32 s0, s3;
	s0 =	sld [smem:$0x3FAA]  }
0x30: {  	s3 =	sld [smem:$0x3FAD]  }
0x31: {  	[smem:$0x3FB6] =	sst s10  }
0x32: {  	s10 =	sld [smem:$0x3FB4];
	_ =	sdelay $0x3  }
0x33: {  	p0 =	seq.s32 s10, $0x1;
	s10 =	sld [smem:$0x3FB6];
	_ =	sdelay $0x3  }
0x34: {  	[smem:$0x3FB6] =	sst s10  }
0x35: {  	s10 =	sld [smem:$0x3FB5];
	_ =	sdelay $0x3  }
0x36: {  	p1 =	seq.s32 s10, $0x1;
	s10 =	sld [smem:$0x3FB6];
	_ =	sdelay $0x3  }
0x37: {  	[smem:$0x3FB6] =	sst s10  }
0x38: {  	s10 =	sld [smem:$0x3FB7]  }
0x39: {  	_ = 	snop;
	(pc) =	sbr.ind lr, $3  }
0x3a: {  	_ = 	snop  }
0x3b: {  	_ = 	snop  }
0x3c: {  	p2 =	seq.s32 s10, $0x1;
	s10 =	sld [smem:$0x3FB6]  }
0x3d: {  	_ =	shalt  }
0x3e: {  	_ =	shalt  }
0x3f: {  	_ =	shalt  }
0x40: {  	_ =	shalt  }
0x41: {  	_ =	shalt  }
0x42: {  	_ =	shalt  }
0x43: {  	_ =	shalt  }
0x44: {  	_ =	shalt  }
0x45: {  	_ =	shalt  }
0x46: {  	_ =	shalt  }
0x47: {  	_ =	shalt  }
0x48: {  	_ =	shalt  }
0x49: {  	_ =	shalt  }
0x4a: {  	_ =	shalt  }
0x4b: {  	_ =	shalt  }
0x4c: {  	_ =	shalt  }
0x4d: {  	_ =	shalt  }
0x4e: {  	_ =	shalt  }
0x4f: {  	_ =	shalt  }
0x50: {  	_ =	shalt  }
0x51: {  	_ =	shalt  }
0x52: {  	_ =	shalt  }
0x53: {  	_ =	shalt  }
0x54: {  	_ =	shalt  }
0x55: {  	_ =	shalt  }
0x56: {  	_ =	shalt  }
0x57: {  	_ =	shalt  }
0x58: {  	_ =	shalt  }
0x59: {  	_ =	shalt  }
0x5a: {  	_ =	shalt  }
0x5b: {  	_ =	shalt  }
0x5c: {  	_ =	shalt  }
0x5d: {  	_ =	shalt  }
0x5e: {  	_ =	shalt  }
0x5f: {  	_ =	shalt  }
0x60: {  	_ =	shalt  }
0x61: {  	_ =	shalt  }
0x62: {  	_ =	shalt  }
0x63: {  	_ =	shalt  }
0x64: {  	_ =	shalt  }
0x65: {  	_ =	shalt  }
0x66: {  	_ =	shalt  }
0x67: {  	_ =	shalt  }
0x68: {  	_ =	shalt  }
0x69: {  	_ =	shalt  }
0x6a: {  	_ =	shalt  }
0x6b: {  	_ =	shalt  }
0x6c: {  	_ =	shalt  }
0x6d: {  	_ =	shalt  }
0x6e: {  	_ =	shalt  }
0x6f: {  	_ =	shalt  }
0x70: {  	_ =	shalt  }
0x71: {  	_ =	shalt  }
0x72: {  	_ =	shalt  }
0x73: {  	_ =	shalt  }
0x74: {  	_ =	shalt  }
0x75: {  	_ =	shalt  }
0x76: {  	_ =	shalt  }
0x77: {  	_ =	shalt  }
0x78: {  	_ =	shalt  }
0x79: {  	_ =	shalt  }
0x7a: {  	_ =	shalt  }
0x7b: {  	_ =	shalt  }
0x7c: {  	_ =	shalt  }
0x7d: {  	_ =	shalt  }
0x7e: {  	_ =	shalt  }
0x7f: {  	_ =	shalt  }
0x80: {  	_ =	shalt  }
0x81: {  	_ =	shalt  }
0x82: {  	_ =	shalt  }
0x83: {  	_ =	shalt  }
0x84: {  	_ =	shalt  }
0x85: {  	_ =	shalt  }
0x86: {  	_ =	shalt  }
0x87: {  	_ =	shalt  }
.Lfunc_end0:
.L_simem_size_0:
called_computation.1_lowered:
.L_overlay_start_0:
0x88: {  	s2 =	sld [smem:$0x3FD9]  }
0x89: {  	s3 =	sld [smem:$0x3FFE];
	_ =	sdelay $0x1  }
0x8a: {  	s1 =	srdreg.scid  }
0x8b: {  	s0 =	sand.u32 $0x1, s1  }
0x8c: {  	s17 =	sshll.u32 s0, $0xA;
	s2 =	sadd.s32 s3, s2  }
0x8d: {  	s2 =	sadd.s32 s2, s17  }
0x8e: {  	[smem:$0x3FC2] =	sst s2  }
0x8f: {  	_ = 	snop  }
0x90: {  	s2 =	sld [smem:$0x3FD0];
	(tm) =	ssettm $0x1  }
0x91: {  	s18 =	sld [smem:$0x3FFB];
	_ =	sdelay $0x3  }
0x92: {  	_ =	strace s18  }
0x93: {  	s3 =	sld [smem:$0x3FFC];
	_ =	sdelay $0x3  }
0x94: {  	_ =	strace s3  }
0x95: {  	s3 =	sld [smem:$0x3FFD];
	_ =	sdelay $0x3  }
0x96: {  	_ =	strace s3  }
0x97: {  	_ =	strace $0x8FFFFFFF  }
0x98: {  	s19 =	sld [smem:$0x3FDB];
	_ =	sdelay $0x1  }
0x99: {  	s4 =	simm.s32 $_scs_section_size  }
0x9a: {  	s5 =	simm.s32 $_size__tile_overlayer_lowered;
	s6 =	simm.s32 $_tile_overlayer_lowered  }
0x9b: {  	s22 =	simm.s32 $0x1BFF;
	s21 =	sshll.u32 s6, $0x1;
	s3 =	sadd.s32 s4, s19  }
0x9c: {  	s7 =	simm.s32 $0x0;
	s20 =	sshll.u32 s5, $0x1;
	s5 =	sadd.s32 s21, s3  }
0x9d: {  	[timem:s7], [sflag:s22] =	dma.local [hbm:s5], s20  }
0x9e: {  	_ =	swait.ge [sflag:s22], s20  }
0x9f: {  	s4 =	ssub.s32 $0x0, s20;
	[sflag:s22] =	ssyncset.done $0x0  }
0xa0: {  	[sflag:s22] =	ssyncadd.s32 s4;
	_ =	sdelay $0x1  }
0xa1: {  	s23 =	simm.s32 $0x1B8B  }
0xa2: {  	_ =	swait.ge [sflag:s23], $0x1  }
0xa3: {  	[sflag:s23] =	ssyncset.done $0x0  }
0xa4: {  	s25 =	simm.s32 $0x1B8E;
	s24 =	sld [smem:$0x3FFE];
	[sflag:s23] =	ssyncadd.s32 $0xFFFFFFFF  }
0xa5: {  	s26 =	simm.s32 $execute0_lowered;
	[smem:$0x3FD2] =	sst s25  }
0xa6: {  	s5 =	sshll.u32 s26, $0x1;
	_ =	strace $0x80000049;
	[dreg:$0x1] =	wrdreg $0xFFFFFFFF  }
0xa7: {  	s28 =	simm.s32 $_size_execute0_lowered;
	s3 =	sadd.s32 s3, s5;
	[dreg:$0x0] =	wrdreg $0x0  }
0xa8: {  	s5 =	sshll.u32 s28, $0x1;
	[dreg:$0x2] =	wrdreg s3  }
0xa9: {  	[dreg:$0x3] =	wrdreg s5  }
0xaa: {  	[dreg:$0x4] =	wrdreg $0xC0  }
0xab: {  	_ =	task [dreg:s7], $0x5FFFF  }
0xac: {  	[dreg:$0x1] =	wrdreg $0xFFFFFFFF  }
0xad: {  	[dreg:$0x0] =	wrdreg $0x60  }
0xae: {  	[dreg:$0x2] =	wrdreg s24  }
0xaf: {  	[dreg:$0x3] =	wrdreg s2  }
0xb0: {  	[dreg:$0x4] =	wrdreg $0x98000  }
0xb1: {  	[dreg:$0x5] =	wrdreg $0x9  }
0xb2: {  	_ =	task.clear_ibuf [dreg:s7], $0x6FFFF;
	_ =	strace $0x90000049  }
0xb3: {  	s29 =	simm.s32 $0x9;
	_ =	strace $0x8000004B  }
0xb4: {  	_ =	swait.ge [sflag:s29], $0x1  }
0xb5: {  	[sflag:s29] =	ssyncadd.s32 $0xFFFFFFFF  }
0xb6: {  	_ =	strace $0x9000004B  }
0xb7: {  	_ =	sfence  }
0xb8: {  	s30 =	sld [smem:$0x0];
	_ =	sdelay $0x2  }
0xb9: {  	s31 =	sshll.u32 s1, $0xD;
	s1 =	sshrl.u32 s1, $0x2  }
0xba: {  	s3 =	sand.u32 $0x4000, s31;
	s1 =	sadd.s32 s1, s30  }
0xbb: {  	s0 =	sor.u32 s3, s0;
	s1 =	sshll.u32 s1, $0x11  }
0xbc: {  	s0 =	sor.u32 s1, s0  }
0xbd: {  	s0 =	sadd.s32 $0x8F2B, s0  }
0xbe: {  	[sflag:s0] =	ssyncadd.remote.s32 $0x1  }
0xbf: {  	_ =	sfence.sel $0xFFFF  }
0xc0: {  	[dreg:$0x0] =	wrdreg $0xFFFFFFFF;
	(pc) =	sbr.abs _section_cstart, $3  }
0xc1: {  	[dreg:$0x1] =	wrdreg $0xFFFFFFFF  }
0xc2: {  	_ =	task.clear_ibuf [dreg:s7], $0x2FFFF;
	_ =	strace $0x9FFFFFFF  }
0xc3: {  	(tm) =	ssettm $0x7FFFFFFF  }
tec
execute0_lowered:
.L_overlay_start_1:
0x0: {  	(tag) =	ssettag $0x1  }
0x1: {  	s5 =	rddreg [dreg:$0x0]  }
0x2: {  	s7 =	rddreg [dreg:$0x1]  }
0x3: {  	s2 =	rddreg [dreg:$0x2]  }
0x4: {  	s0 =	rddreg [dreg:$0x3];
	s4 =	srdreg.scid  }
0x5: {  	s1 =	stileid.u32;
	s3 =	simm.s32 $0x0;
	s25 =	simm.s32 $0x80  }
0x6: {  	s28 =	simm.s32 $0x0;
	s8 =	sand.u32 $0x1, s4;
	s26 =	sshll.u32 s1, $0x1  }
0x7: {  	[smem:$0x7FF] =	sst s3;
	s11 =	smul.u32 $0x50000, s1;
	s22 =	sadd.s32 $0x67C00, s5  }
0x8: {  	s19 =	smul.u32 $0x14000, s1;
	s4 =	sor.u32 s8, s26;
	_ =	strace $0x8000004A  }
0x9: {  	s6 =	ssub.s32 $0x2, s8;
	p0 =	seq.s32 s8, $0x0;
	s20 =	smul.u32 $0x140000, s8  }
0xa: {  	s26 =	simm.s32 $0x1;
	s9 =	smul.u32 $0x580, s4;
	s4 =	sadd.s32 $0x17C00, s5  }
0xb: {  	s10 =	sshrl.u32 s6, $0x1;
	s29 =	sshrl.u32 s11, $0x2;
	s15 =	sadd.s32 $0x4000, s19  }
0xc: {  	s17 =	sadd.s32 $0x8000, s19;
	s21 =	sadd.s32 $0xC000, s19;
	s24 =	sadd.s32 $0x10000, s19  }
0xd: {  	s10 =	ssub.s32 s6, s10;
	s6 =	sadd.s32 s29, s2;
	s14 =	sadd.s32 s20, s19  }
0xe: {  	s16 =	sadd.s32 s20, s15;
	s15 =	sadd.s32 s15, s2;
	s18 =	sadd.s32 s20, s17  }
0xf: {  	s17 =	sadd.s32 s17, s2;
	s23 =	sadd.s32 s20, s21;
	s19 =	sadd.s32 s21, s2  }
0x10: {  	s31 =	sadd.s32 s20, s24;
	s21 =	sadd.s32 s24, s2;
	s24 =	simm.s32 $0x2  }
0x11: {  	s12 =	sadd.s32 s9, s5;
	s5 =	simm.s32 $0x47;
	s7 =	sadd.s32 s7, s9  }
0x12: {  	s9 =	smax.u32 s10, $0x1;
	s10 =	sadd.s32 $0x4000, s6;
	s11 =	sadd.s32 $0x8000, s6  }
0x13: {  	s13 =	sadd.s32 $0x10000, s6;
	s14 =	sshrl.u32 s14, $0x3;
	s16 =	sshrl.u32 s16, $0x3  }
0x14: {  	s18 =	sshrl.u32 s18, $0x3;
	s30 =	sshrl.u32 s23, $0x3;
	s23 =	sshrl.u32 s31, $0x3  }
0x15: {  	s5 =	simm.s32 @!p0 $0x56;
	s8 =	sadd.s32 $0xCC00, s12;
	s12 =	sadd.s32 $0xC000, s6  }
0x16: {  	s14 =	sadd.s32 s22, s14;
	s16 =	sadd.s32 s22, s16;
	s18 =	sadd.s32 s22, s18  }
0x17: {  	v0 =	vimm.f32 $0.0e+00;
	s20 =	sadd.s32 s22, s30;
	s22 =	sadd.s32 s22, s23;
	s23 =	simm.s32 $0x5800  }
.LBB2_1:
0x18: {  	s29 =	simm.s32 $0x0;
	s30 =	simm.s32 $0x200  }
.LBB2_2:
0x19: {  	p0 =	sne.s32 s30, $0xFE00;
	[tilespmem:s29+$0x5870] =	vst v0  }
0x1a: {  	[tilespmem:s29+$0x5800] =	vst v0  }
0x1b: {  	[tilespmem:s29+$0x5810] =	vst v0  }
.Ltmp0:
0x1c: {  	[tilespmem:s29+$0x5820] =	vst v0;
	(pc) =	sbr.rel @p0 .LBB2_2-.Ltmp0, $4  }
0x1d: {  	[tilespmem:s29+$0x5830] =	vst v0  }
0x1e: {  	[tilespmem:s29+$0x5840] =	vst v0  }
0x1f: {  	[tilespmem:s29+$0x5850] =	vst v0  }
0x20: {  	[tilespmem:s29+$0x5860] =	vst v0;
	s29 =	sshra.s32 s30, $0x2;
	s30 =	sadd.s32 $0x200, s30  }
0x21: {  	[tilespmem:s29+$0x5870] =	vst v0  }
0x22: {  	[tilespmem:s29+$0x5800] =	vst v0  }
0x23: {  	[tilespmem:s29+$0x5810] =	vst v0  }
0x24: {  	[tilespmem:s29+$0x5820] =	vst v0  }
0x25: {  	[tilespmem:s29+$0x5830] =	vst v0  }
0x26: {  	[tilespmem:s29+$0x5840] =	vst v0  }
0x27: {  	[tilespmem:s29+$0x5850] =	vst v0  }
0x28: {  	[tilespmem:s29+$0x5860] =	vst v0  }
0x29: {  	[spmem:s6] =	stream.linear.scatter [tilespmem:s23], [sflag:$0x2], $0x4000, $0x38;
	[tilespmem:$0x1D800] =	vst v63  }
0x2a: {  	_ =	swait.ge [sflag:s24], $0x4000  }
0x2b: {  	[sflag:s24] =	ssyncset.done $0x0  }
0x2c: {  	[sflag:s24] =	ssyncadd.s32 $0xFFFFC000  }
0x2d: {  	[spmem:s10] =	stream.linear.scatter [tilespmem:s23], [sflag:$0x2], $0x4000, $0x38;
	[tilespmem:$0x1D800] =	vst v63  }
0x2e: {  	_ =	swait.ge [sflag:s24], $0x4000  }
0x2f: {  	[sflag:s24] =	ssyncset.done $0x0  }
0x30: {  	[sflag:s24] =	ssyncadd.s32 $0xFFFFC000  }
0x31: {  	[spmem:s11] =	stream.linear.scatter [tilespmem:s23], [sflag:$0x2], $0x4000, $0x38;
	[tilespmem:$0x1D800] =	vst v63  }
0x32: {  	_ =	swait.ge [sflag:s24], $0x4000  }
0x33: {  	[sflag:s24] =	ssyncset.done $0x0  }
0x34: {  	[sflag:s24] =	ssyncadd.s32 $0xFFFFC000  }
0x35: {  	[spmem:s12] =	stream.linear.scatter [tilespmem:s23], [sflag:$0x2], $0x4000, $0x38;
	[tilespmem:$0x1D800] =	vst v63  }
0x36: {  	_ =	swait.ge [sflag:s24], $0x4000  }
0x37: {  	[sflag:s24] =	ssyncset.done $0x0  }
0x38: {  	[sflag:s24] =	ssyncadd.s32 $0xFFFFC000  }
0x39: {  	[spmem:s13] =	stream.linear.scatter [tilespmem:s23], [sflag:$0x2], $0x4000, $0x38;
	[tilespmem:$0x1D800] =	vst v63  }
0x3a: {  	_ =	swait.ge [sflag:s24], $0x4000  }
0x3b: {  	[sflag:s24] =	ssyncset.done $0x0  }
0x3c: {  	s29 =	simm.s32 $0x0;
	[sflag:s24] =	ssyncadd.s32 $0xFFFFC000  }
0x3d: {  	[tilespmem:s29], [sflag:$0x2] =	stream.linear.gather [hbm4b:s7+s29], $0x2B00, $0x38;
	[tilespmem:$0x1D800] =	vst v63  }
0x3e: {  	_ =	swait.ge [sflag:s24], $0x2B00  }
0x3f: {  	[sflag:s24] =	ssyncset.done $0x0  }
0x40: {  	s30 =	simm.s32 $0x2C00;
	[sflag:s24] =	ssyncadd.s32 $0xFFFFD500  }
0x41: {  	[tilespmem:s30], [sflag:$0x2] =	stream.linear.gather [hbm4b:s8+s29], $0x2B00, $0x38;
	[tilespmem:$0x1D800] =	vst v63  }
0x42: {  	_ =	swait.ge [sflag:s24], $0x2B00  }
0x43: {  	[sflag:s24] =	ssyncset.done $0x0  }
0x44: {  	[sflag:s24] =	ssyncadd.s32 $0xFFFFD500  }
0x45: {  	[bflag:$0x0] =	sbarrier.arrive $0xFFFF  }
0x46: {  	[tilespmem:s23], [sflag:$0x1] =	stream.indirect.gather [hbm4b:s4+s25], $0x80, s29, s25, $0xb8;
	[tilespmem:$0x1D800] =	vst v63  }
0x47: {  	p0 =	sne.s32 s5, $0x1;
	_ =	swait.ge [sflag:s26], $0x4000  }
.Ltmp1:
0x48: {  	[sflag:s26] =	ssyncset.done $0x0;
	(pc) =	sbr.rel @!p0 .LBB2_5-.Ltmp1, $4  }
0x49: {  	[sflag:s26] =	ssyncadd.s32 $0xFFFFC000  }
0x4a: {  	[spmem:s2] =	stream.indirect.scatter.add.f32 [tilespmem:s23], [sflag:$0x2], $0x80, s30, s25, $0xb8;
	[tilespmem:$0x1D800] =	vst v63  }
0x4b: {  	_ =	swait.ge [sflag:s24], $0x4000  }
0x4c: {  	s31 =	sadd.s32 $0xFFFFFFFF, s5;
	[sflag:s24] =	ssyncset.done $0x0  }
.LBB2_4:
0x4d: {  	[sflag:s24] =	ssyncadd.s32 $0xFFFFC000;
	s29 =	sadd.s32 $0x80, s29;
	s30 =	sadd.s32 $0x80, s30  }
0x4e: {  	[tilespmem:s23], [sflag:$0x1] =	stream.indirect.gather [hbm4b:s4+s25], $0x80, s29, s25, $0xb8;
	[tilespmem:$0x1D800] =	vst v63  }
0x4f: {  	p0 =	sne.s32 s31, $0x1;
	s31 =	sadd.s32 $0xFFFFFFFF, s31;
	_ =	swait.ge [sflag:s26], $0x4000  }
.Ltmp2:
0x50: {  	[sflag:s26] =	ssyncset.done $0x0;
	(pc) =	sbr.rel @p0 .LBB2_4-.Ltmp2, $4  }
0x51: {  	[sflag:s26] =	ssyncadd.s32 $0xFFFFC000  }
0x52: {  	[spmem:s2] =	stream.indirect.scatter.add.f32 [tilespmem:s23], [sflag:$0x2], $0x80, s30, s25, $0xb8;
	[tilespmem:$0x1D800] =	vst v63  }
0x53: {  	_ =	swait.ge [sflag:s24], $0x4000  }
0x54: {  	[sflag:s24] =	ssyncset.done $0x0  }
.LBB2_5:
0x55: {  	[sflag:s24] =	ssyncadd.s32 $0xFFFFC000  }
0x56: {  	[bflag:$0x0] =	sbarrier.arrive $0xFFFF  }
0x57: {  	[tilespmem:s23], [sflag:$0x2] =	stream.linear.gather [spmem:s6], $0x4000, $0x38;
	[tilespmem:$0x1D800] =	vst v63  }
0x58: {  	_ =	swait.ge [sflag:s24], $0x4000  }
0x59: {  	[sflag:s24] =	ssyncset.done $0x0  }
0x5a: {  	[sflag:s24] =	ssyncadd.s32 $0xFFFFC000  }
0x5b: {  	[hbm4b:s14+s3] =	stream.linear.scatter [tilespmem:s23], [sflag:$0x2], $0x4000, $0x38;
	[tilespmem:$0x1D800] =	vst v63  }
0x5c: {  	_ =	swait.ge [sflag:s24], $0x4000  }
0x5d: {  	[sflag:s24] =	ssyncset.done $0x0  }
0x5e: {  	[sflag:s24] =	ssyncadd.s32 $0xFFFFC000  }
0x5f: {  	[tilespmem:s23], [sflag:$0x2] =	stream.linear.gather [spmem:s15], $0x4000, $0x38;
	[tilespmem:$0x1D800] =	vst v63  }
0x60: {  	_ =	swait.ge [sflag:s24], $0x4000  }
0x61: {  	[sflag:s24] =	ssyncset.done $0x0  }
0x62: {  	[sflag:s24] =	ssyncadd.s32 $0xFFFFC000  }
0x63: {  	[hbm4b:s16+s3] =	stream.linear.scatter [tilespmem:s23], [sflag:$0x2], $0x4000, $0x38;
	[tilespmem:$0x1D800] =	vst v63  }
0x64: {  	_ =	swait.ge [sflag:s24], $0x4000  }
0x65: {  	[sflag:s24] =	ssyncset.done $0x0  }
0x66: {  	[sflag:s24] =	ssyncadd.s32 $0xFFFFC000  }
0x67: {  	[tilespmem:s23], [sflag:$0x2] =	stream.linear.gather [spmem:s17], $0x4000, $0x38;
	[tilespmem:$0x1D800] =	vst v63  }
0x68: {  	_ =	swait.ge [sflag:s24], $0x4000  }
0x69: {  	[sflag:s24] =	ssyncset.done $0x0  }
0x6a: {  	[sflag:s24] =	ssyncadd.s32 $0xFFFFC000  }
0x6b: {  	[hbm4b:s18+s3] =	stream.linear.scatter [tilespmem:s23], [sflag:$0x2], $0x4000, $0x38;
	[tilespmem:$0x1D800] =	vst v63  }
0x6c: {  	_ =	swait.ge [sflag:s24], $0x4000  }
0x6d: {  	[sflag:s24] =	ssyncset.done $0x0  }
0x6e: {  	[sflag:s24] =	ssyncadd.s32 $0xFFFFC000  }
0x6f: {  	[tilespmem:s23], [sflag:$0x2] =	stream.linear.gather [spmem:s19], $0x4000, $0x38;
	[tilespmem:$0x1D800] =	vst v63  }
0x70: {  	_ =	swait.ge [sflag:s24], $0x4000  }
0x71: {  	[sflag:s24] =	ssyncset.done $0x0  }
0x72: {  	[sflag:s24] =	ssyncadd.s32 $0xFFFFC000  }
0x73: {  	[hbm4b:s20+s3] =	stream.linear.scatter [tilespmem:s23], [sflag:$0x2], $0x4000, $0x38;
	[tilespmem:$0x1D800] =	vst v63  }
0x74: {  	_ =	swait.ge [sflag:s24], $0x4000  }
0x75: {  	[sflag:s24] =	ssyncset.done $0x0  }
0x76: {  	[sflag:s24] =	ssyncadd.s32 $0xFFFFC000  }
0x77: {  	[tilespmem:s23], [sflag:$0x2] =	stream.linear.gather [spmem:s21], $0x4000, $0x38;
	[tilespmem:$0x1D800] =	vst v63  }
0x78: {  	s28 =	sadd.s32 $0x1, s28;
	_ =	swait.ge [sflag:s24], $0x4000  }
0x79: {  	p0 =	sne.s32 s28, s9;
	[sflag:s24] =	ssyncset.done $0x0  }
.Ltmp3:
0x7a: {  	[sflag:s24] =	ssyncadd.s32 $0xFFFFC000;
	(pc) =	sbr.rel @p0 .LBB2_1-.Ltmp3, $4  }
0x7b: {  	[hbm4b:s22+s3] =	stream.linear.scatter [tilespmem:s23], [sflag:$0x2], $0x4000, $0x38;
	[tilespmem:$0x1D800] =	vst v63  }
0x7c: {  	_ =	swait.ge [sflag:s24], $0x4000  }
0x7d: {  	[sflag:s24] =	ssyncset.done $0x0  }
0x7e: {  	[sflag:s24] =	ssyncadd.s32 $0xFFFFC000  }
0x7f: {  	_ =	sfence.sel $0x180000  }
0x80: {  	[bflag:$0x0] =	sbarrier.arrive $0xFFFF  }
0x81: {  	p0 =	sne.s32 s1, $0x0;
	_ =	strace $0x9000004A  }
0x82: {  	s0 =	sadd.s32 @!p0 $0x100000, s0;
	[bflag:$0x2] =	sbarrier.arrive $0xFFFF  }
0x83: {  	[sflag:s0] =	ssyncadd.tile.s32 @!p0 $0x1;
	_ =	shalt  }
.Lfunc_end2:
_tile_overlayer_lowered:
.L_overlay_start_2:
0x84: {  	(tag) =	ssettag $0x2  }
0x85: {  	s0 =	rddreg [dreg:$0x0];
	s2 =	stileid.u32  }
0x86: {  	s1 =	rddreg [dreg:$0x1];
	p0 =	sne.s32 s2, $0x0  }
0x87: {  	s3 =	rddreg [dreg:$0x2];
	[bflag:$0x3] =	sbarrier.arrive $0xFFFF;
	s2 =	simm.s32 @!p0 $0x1C02  }
0x88: {  	[timem:s3], [sflag:s2] =	dma.local @!p0 [hbm:s0], s1  }
0x89: {  	s0 =	simm.s32 @!p0 $0x2  }
0x8a: {  	_ =	swait.ge @!p0 [sflag:s0], s1  }
0x8b: {  	s1 =	ssub.s32 @!p0 $0x0, s1;
	[sflag:s0] =	ssyncset.done @!p0 $0x0  }
0x8c: {  	[sflag:s0] =	ssyncadd.s32 @!p0 s1  }
0x8d: {  	[bflag:$0x3] =	sbarrier.arrive $0xFFFF  }
0x8e: {  	_ =	shalt  }

// kernel: kernel.14.cloned.1.call-start
scs
__scs_entry_jumppad:
0x0: {  	(pc) =	sbr.rel $0x88, $3  }
0x1: {  	(tag) =	ssettag $0x0;
	lr =	simm.s32 $0x1  }
0x2: {  	[smem:$0x3F9B] =	sst lr;
	_ =	strace $0xD0000000  }
0x3: {  	_ = 	snop  }
0x4: {  	_ = 	snop  }
0x5: {  	_ = 	snop  }
0x6: {  	_ = 	snop  }
0x7: {  	_ = 	snop  }
__scs_overlays_trampoline_lowered:
0x8: {  	[smem:$0x3FAA] =	sst s0  }
0x9: {  	[smem:$0x3FAB] =	sst s1  }
0xa: {  	[smem:$0x3FAC] =	sst s2  }
0xb: {  	[smem:$0x3FAD] =	sst s3  }
0xc: {  	[smem:$0x3FAE] =	sst s4  }
0xd: {  	[smem:$0x3FAF] =	sst s5  }
0xe: {  	[smem:$0x3FB0] =	sst s6  }
0xf: {  	[smem:$0x3FB1] =	sst s7  }
0x10: {  	[smem:$0x3FB2] =	sst s8  }
0x11: {  	[smem:$0x3FB3] =	sst s9;
	s0 =	simm.s32 @!p0 $0x0  }
0x12: {  	s1 =	sld [smem:$0x3F99];
	s0 =	simm.s32 @p0 $0x1  }
0x13: {  	[smem:$0x3FB4] =	sst s0;
	s0 =	simm.s32 @!p1 $0x0  }
0x14: {  	s2 =	sld [smem:$0x3F98];
	s0 =	simm.s32 @p1 $0x1  }
0x15: {  	[smem:$0x3FB5] =	sst s0;
	s0 =	simm.s32 @!p2 $0x0  }
0x16: {  	s3 =	sld [smem:$0x3FDB];
	s0 =	simm.s32 @p2 $0x1  }
0x17: {  	s4 =	simm.s32 $0x1BF5;
	[smem:$0x3FB7] =	sst s0  }
0x18: {  	s0 =	sld [smem:$0x3F9A];
	_ =	swait.ge [sflag:s4], $0x0  }
0x19: {  	s7 =	sld [smem:$0x3F9B]  }
0x1a: {  	s8 =	sadd.s32 $0xFFFFE003, lr  }
0x1b: {  	s9 =	sadd.s32 $0xFFFFFEF7, lr;
	s5 =	simm.s32 $0xFFFFFFFF;
	p2 =	slt.u32 s8, $0xFFFFF086  }
0x1c: {  	p1 =	slt.u32 s9, $0xF7A;
	s5 =	simm.s32 @!p2 $0x0  }
0x1d: {  	s5 =	simm.s32 @p1 $0x1;
	p0 =	seq.s32 s7, s2  }
0x1e: {  	s7 =	smul.u32 @!p0 $0xF7A, s2;
	p2 =	seq.s32 @!p0 s5, $0x0  }
0x1f: {  	s9 =	smul.u32 $0xF7A, s1;
	s8 =	simm.s32 @!p0 $0x1BF5;
	p2 =	por !p2, p0  }
0x20: {  	[sflag:s8] =	ssyncset.s32 @!p0 $0xFFFFF086;
	s6 =	sadd.s32 @!p0 s3, s7;
	s7 =	simm.s32 @!p0 $0x108  }
0x21: {  	s3 =	sadd.s32 s3, s9;
	s6 =	sadd.s32 @!p0 $0x88, s6;
	s7 =	simm.s32 @p2 $0x1082  }
0x22: {  	[simem:s7], [sflag:s8] =	dma.local @!p0 [hbm:s6], $0xF7A  }
0x23: {  	s9 =	sor.u32 $0xD0000000, s2;
	s6 =	simm.s32 $0x108;
	_ =	swait.ge @!p0 [sflag:s8], $0x0  }
0x24: {  	s3 =	sadd.s32 $0x88, s3;
	s6 =	simm.s32 @!p1 $0x1082;
	[sflag:s4] =	ssyncset.s32 $0xFFFFF086  }
0x25: {  	[simem:s6], [sflag:s4] =	dma.local [hbm:s3], $0xF7A  }
0x26: {  	[smem:$0x3F9B] =	sst s1;
	(tag) =	ssettag s2;
	_ =	strace s9  }
0x27: {  	s1 =	sld [smem:$0x3FAB]  }
0x28: {  	s2 =	sld [smem:$0x3FAC]  }
0x29: {  	s4 =	sld [smem:$0x3FAE]  }
0x2a: {  	p0 =	seq.s32 s5, $0x0;
	s5 =	sld [smem:$0x3FAF]  }
0x2b: {  	s6 =	sld [smem:$0x3FB0]  }
0x2c: {  	s7 =	sld [smem:$0x3FB1]  }
0x2d: {  	s3 =	simm.s32 $0x108;
	s8 =	sld [smem:$0x3FB2]  }
0x2e: {  	s3 =	simm.s32 @!p0 $0x1082;
	s9 =	sld [smem:$0x3FB3]  }
0x2f: {  	lr =	sadd.s32 s0, s3;
	s0 =	sld [smem:$0x3FAA]  }
0x30: {  	s3 =	sld [smem:$0x3FAD]  }
0x31: {  	[smem:$0x3FB6] =	sst s10  }
0x32: {  	s10 =	sld [smem:$0x3FB4];
	_ =	sdelay $0x3  }
0x33: {  	p0 =	seq.s32 s10, $0x1;
	s10 =	sld [smem:$0x3FB6];
	_ =	sdelay $0x3  }
0x34: {  	[smem:$0x3FB6] =	sst s10  }
0x35: {  	s10 =	sld [smem:$0x3FB5];
	_ =	sdelay $0x3  }
0x36: {  	p1 =	seq.s32 s10, $0x1;
	s10 =	sld [smem:$0x3FB6];
	_ =	sdelay $0x3  }
0x37: {  	[smem:$0x3FB6] =	sst s10  }
0x38: {  	s10 =	sld [smem:$0x3FB7]  }
0x39: {  	_ = 	snop;
	(pc) =	sbr.ind lr, $3  }
0x3a: {  	_ = 	snop  }
0x3b: {  	_ = 	snop  }
0x3c: {  	p2 =	seq.s32 s10, $0x1;
	s10 =	sld [smem:$0x3FB6]  }
0x3d: {  	_ =	shalt  }
0x3e: {  	_ =	shalt  }
0x3f: {  	_ =	shalt  }
0x40: {  	_ =	shalt  }
0x41: {  	_ =	shalt  }
0x42: {  	_ =	shalt  }
0x43: {  	_ =	shalt  }
0x44: {  	_ =	shalt  }
0x45: {  	_ =	shalt  }
0x46: {  	_ =	shalt  }
0x47: {  	_ =	shalt  }
0x48: {  	_ =	shalt  }
0x49: {  	_ =	shalt  }
0x4a: {  	_ =	shalt  }
0x4b: {  	_ =	shalt  }
0x4c: {  	_ =	shalt  }
0x4d: {  	_ =	shalt  }
0x4e: {  	_ =	shalt  }
0x4f: {  	_ =	shalt  }
0x50: {  	_ =	shalt  }
0x51: {  	_ =	shalt  }
0x52: {  	_ =	shalt  }
0x53: {  	_ =	shalt  }
0x54: {  	_ =	shalt  }
0x55: {  	_ =	shalt  }
0x56: {  	_ =	shalt  }
0x57: {  	_ =	shalt  }
0x58: {  	_ =	shalt  }
0x59: {  	_ =	shalt  }
0x5a: {  	_ =	shalt  }
0x5b: {  	_ =	shalt  }
0x5c: {  	_ =	shalt  }
0x5d: {  	_ =	shalt  }
0x5e: {  	_ =	shalt  }
0x5f: {  	_ =	shalt  }
0x60: {  	_ =	shalt  }
0x61: {  	_ =	shalt  }
0x62: {  	_ =	shalt  }
0x63: {  	_ =	shalt  }
0x64: {  	_ =	shalt  }
0x65: {  	_ =	shalt  }
0x66: {  	_ =	shalt  }
0x67: {  	_ =	shalt  }
0x68: {  	_ =	shalt  }
0x69: {  	_ =	shalt  }
0x6a: {  	_ =	shalt  }
0x6b: {  	_ =	shalt  }
0x6c: {  	_ =	shalt  }
0x6d: {  	_ =	shalt  }
0x6e: {  	_ =	shalt  }
0x6f: {  	_ =	shalt  }
0x70: {  	_ =	shalt  }
0x71: {  	_ =	shalt  }
0x72: {  	_ =	shalt  }
0x73: {  	_ =	shalt  }
0x74: {  	_ =	shalt  }
0x75: {  	_ =	shalt  }
0x76: {  	_ =	shalt  }
0x77: {  	_ =	shalt  }
0x78: {  	_ =	shalt  }
0x79: {  	_ =	shalt  }
0x7a: {  	_ =	shalt  }
0x7b: {  	_ =	shalt  }
0x7c: {  	_ =	shalt  }
0x7d: {  	_ =	shalt  }
0x7e: {  	_ =	shalt  }
0x7f: {  	_ =	shalt  }
0x80: {  	_ =	shalt  }
0x81: {  	_ =	shalt  }
0x82: {  	_ =	shalt  }
0x83: {  	_ =	shalt  }
0x84: {  	_ =	shalt  }
0x85: {  	_ =	shalt  }
0x86: {  	_ =	shalt  }
0x87: {  	_ =	shalt  }
.Lfunc_end0:
.L_simem_size_0:
called_computation.2_lowered:
.L_overlay_start_0:
0x88: {  	s2 =	sld [smem:$0x3FD9]  }
0x89: {  	s3 =	sld [smem:$0x3FFE];
	_ =	sdelay $0x1  }
0x8a: {  	s1 =	srdreg.scid  }
0x8b: {  	s0 =	sand.u32 $0x1, s1  }
0x8c: {  	s17 =	sshll.u32 s0, $0xA;
	s2 =	sadd.s32 s3, s2  }
0x8d: {  	s2 =	sadd.s32 s2, s17  }
0x8e: {  	[smem:$0x3FC2] =	sst s2  }
0x8f: {  	_ = 	snop  }
0x90: {  	s2 =	sld [smem:$0x3FD0];
	(tm) =	ssettm $0x1  }
0x91: {  	s18 =	sld [smem:$0x3FFB];
	_ =	sdelay $0x3  }
0x92: {  	_ =	strace s18  }
0x93: {  	s3 =	sld [smem:$0x3FFC];
	_ =	sdelay $0x3  }
0x94: {  	_ =	strace s3  }
0x95: {  	s3 =	sld [smem:$0x3FFD];
	_ =	sdelay $0x3  }
0x96: {  	_ =	strace s3  }
0x97: {  	_ =	strace $0x8FFFFFFF  }
0x98: {  	s19 =	sld [smem:$0x3FDB];
	_ =	sdelay $0x1  }
0x99: {  	s4 =	simm.s32 $_scs_section_size  }
0x9a: {  	s5 =	simm.s32 $_size__tile_overlayer_lowered;
	s6 =	simm.s32 $_tile_overlayer_lowered  }
0x9b: {  	s22 =	simm.s32 $0x1BFF;
	s21 =	sshll.u32 s6, $0x1;
	s3 =	sadd.s32 s4, s19  }
0x9c: {  	s7 =	simm.s32 $0x0;
	s20 =	sshll.u32 s5, $0x1;
	s5 =	sadd.s32 s21, s3  }
0x9d: {  	[timem:s7], [sflag:s22] =	dma.local [hbm:s5], s20  }
0x9e: {  	_ =	swait.ge [sflag:s22], s20  }
0x9f: {  	s4 =	ssub.s32 $0x0, s20;
	[sflag:s22] =	ssyncset.done $0x0  }
0xa0: {  	[sflag:s22] =	ssyncadd.s32 s4;
	_ =	sdelay $0x1  }
0xa1: {  	s23 =	simm.s32 $0x1B8B  }
0xa2: {  	_ =	swait.ge [sflag:s23], $0x1  }
0xa3: {  	[sflag:s23] =	ssyncset.done $0x0  }
0xa4: {  	s25 =	simm.s32 $0x1B8E;
	s24 =	sld [smem:$0x3FFE];
	[sflag:s23] =	ssyncadd.s32 $0xFFFFFFFF  }
0xa5: {  	s26 =	simm.s32 $execute0_lowered;
	[smem:$0x3FD2] =	sst s25  }
0xa6: {  	s5 =	sshll.u32 s26, $0x1;
	_ =	strace $0x8000004C;
	[dreg:$0x1] =	wrdreg $0xFFFFFFFF  }
0xa7: {  	s28 =	simm.s32 $_size_execute0_lowered;
	s3 =	sadd.s32 s3, s5;
	[dreg:$0x0] =	wrdreg $0x0  }
0xa8: {  	s5 =	sshll.u32 s28, $0x1;
	[dreg:$0x2] =	wrdreg s3  }
0xa9: {  	[dreg:$0x3] =	wrdreg s5  }
0xaa: {  	[dreg:$0x4] =	wrdreg $0xC0  }
0xab: {  	_ =	task [dreg:s7], $0x5FFFF  }
0xac: {  	[dreg:$0x1] =	wrdreg $0xFFFFFFFF  }
0xad: {  	[dreg:$0x0] =	wrdreg $0x60  }
0xae: {  	[dreg:$0x2] =	wrdreg s24  }
0xaf: {  	[dreg:$0x3] =	wrdreg s2  }
0xb0: {  	[dreg:$0x4] =	wrdreg $0x98000  }
0xb1: {  	[dreg:$0x5] =	wrdreg $0x9  }
0xb2: {  	_ =	task.clear_ibuf [dreg:s7], $0x6FFFF;
	_ =	strace $0x9000004C  }
0xb3: {  	s29 =	simm.s32 $0x9;
	_ =	strace $0x8000004E  }
0xb4: {  	_ =	swait.ge [sflag:s29], $0x1  }
0xb5: {  	[sflag:s29] =	ssyncadd.s32 $0xFFFFFFFF  }
0xb6: {  	_ =	strace $0x9000004E  }
0xb7: {  	_ =	sfence  }
0xb8: {  	s30 =	sld [smem:$0x0];
	_ =	sdelay $0x2  }
0xb9: {  	s31 =	sshll.u32 s1, $0xD;
	s1 =	sshrl.u32 s1, $0x2  }
0xba: {  	s3 =	sand.u32 $0x4000, s31;
	s1 =	sadd.s32 s1, s30  }
0xbb: {  	s0 =	sor.u32 s3, s0;
	s1 =	sshll.u32 s1, $0x11  }
0xbc: {  	s0 =	sor.u32 s1, s0  }
0xbd: {  	s0 =	sadd.s32 $0x8F2B, s0  }
0xbe: {  	[sflag:s0] =	ssyncadd.remote.s32 $0x1  }
0xbf: {  	_ =	sfence.sel $0xFFFF  }
0xc0: {  	[dreg:$0x0] =	wrdreg $0xFFFFFFFF;
	(pc) =	sbr.abs _section_cstart, $3  }
0xc1: {  	[dreg:$0x1] =	wrdreg $0xFFFFFFFF  }
0xc2: {  	_ =	task.clear_ibuf [dreg:s7], $0x2FFFF;
	_ =	strace $0x9FFFFFFF  }
0xc3: {  	(tm) =	ssettm $0x7FFFFFFF  }
tec
execute0_lowered:
.L_overlay_start_1:
0x0: {  	(tag) =	ssettag $0x1  }
0x1: {  	s5 =	rddreg [dreg:$0x0]  }
0x2: {  	s7 =	rddreg [dreg:$0x1]  }
0x3: {  	s2 =	rddreg [dreg:$0x2]  }
0x4: {  	s0 =	rddreg [dreg:$0x3];
	s4 =	srdreg.scid  }
0x5: {  	s1 =	stileid.u32;
	s3 =	simm.s32 $0x0;
	s25 =	simm.s32 $0x80  }
0x6: {  	s28 =	simm.s32 $0x0;
	s8 =	sand.u32 $0x1, s4;
	s26 =	sshll.u32 s1, $0x1  }
0x7: {  	[smem:$0x7FF] =	sst s3;
	s11 =	smul.u32 $0x50000, s1;
	s22 =	sadd.s32 $0x67C00, s5  }
0x8: {  	s19 =	smul.u32 $0x14000, s1;
	s4 =	sor.u32 s8, s26;
	_ =	strace $0x8000004D  }
0x9: {  	s6 =	ssub.s32 $0x2, s8;
	p0 =	seq.s32 s8, $0x0;
	s20 =	smul.u32 $0x140000, s8  }
0xa: {  	s26 =	simm.s32 $0x1;
	s9 =	smul.u32 $0x580, s4;
	s4 =	sadd.s32 $0x17C00, s5  }
0xb: {  	s10 =	sshrl.u32 s6, $0x1;
	s29 =	sshrl.u32 s11, $0x2;
	s15 =	sadd.s32 $0x4000, s19  }
0xc: {  	s17 =	sadd.s32 $0x8000, s19;
	s21 =	sadd.s32 $0xC000, s19;
	s24 =	sadd.s32 $0x10000, s19  }
0xd: {  	s10 =	ssub.s32 s6, s10;
	s6 =	sadd.s32 s29, s2;
	s14 =	sadd.s32 s20, s19  }
0xe: {  	s16 =	sadd.s32 s20, s15;
	s15 =	sadd.s32 s15, s2;
	s18 =	sadd.s32 s20, s17  }
0xf: {  	s17 =	sadd.s32 s17, s2;
	s23 =	sadd.s32 s20, s21;
	s19 =	sadd.s32 s21, s2  }
0x10: {  	s31 =	sadd.s32 s20, s24;
	s21 =	sadd.s32 s24, s2;
	s24 =	simm.s32 $0x2  }
0x11: {  	s12 =	sadd.s32 s9, s5;
	s5 =	simm.s32 $0x47;
	s7 =	sadd.s32 s7, s9  }
0x12: {  	s9 =	smax.u32 s10, $0x1;
	s10 =	sadd.s32 $0x4000, s6;
	s11 =	sadd.s32 $0x8000, s6  }
0x13: {  	s13 =	sadd.s32 $0x10000, s6;
	s14 =	sshrl.u32 s14, $0x3;
	s16 =	sshrl.u32 s16, $0x3  }
0x14: {  	s18 =	sshrl.u32 s18, $0x3;
	s30 =	sshrl.u32 s23, $0x3;
	s23 =	sshrl.u32 s31, $0x3  }
0x15: {  	s5 =	simm.s32 @!p0 $0x56;
	s8 =	sadd.s32 $0xCC00, s12;
	s12 =	sadd.s32 $0xC000, s6  }
0x16: {  	s14 =	sadd.s32 s22, s14;
	s16 =	sadd.s32 s22, s16;
	s18 =	sadd.s32 s22, s18  }
0x17: {  	v0 =	vimm.f32 $0.0e+00;
	s20 =	sadd.s32 s22, s30;
	s22 =	sadd.s32 s22, s23;
	s23 =	simm.s32 $0x5800  }
.LBB2_1:
0x18: {  	s29 =	simm.s32 $0x0;
	s30 =	simm.s32 $0x200  }
.LBB2_2:
0x19: {  	p0 =	sne.s32 s30, $0xFE00;
	[tilespmem:s29+$0x5870] =	vst v0  }
0x1a: {  	[tilespmem:s29+$0x5800] =	vst v0  }
0x1b: {  	[tilespmem:s29+$0x5810] =	vst v0  }
.Ltmp0:
0x1c: {  	[tilespmem:s29+$0x5820] =	vst v0;
	(pc) =	sbr.rel @p0 .LBB2_2-.Ltmp0, $4  }
0x1d: {  	[tilespmem:s29+$0x5830] =	vst v0  }
0x1e: {  	[tilespmem:s29+$0x5840] =	vst v0  }
0x1f: {  	[tilespmem:s29+$0x5850] =	vst v0  }
0x20: {  	[tilespmem:s29+$0x5860] =	vst v0;
	s29 =	sshra.s32 s30, $0x2;
	s30 =	sadd.s32 $0x200, s30  }
0x21: {  	[tilespmem:s29+$0x5870] =	vst v0  }
0x22: {  	[tilespmem:s29+$0x5800] =	vst v0  }
0x23: {  	[tilespmem:s29+$0x5810] =	vst v0  }
0x24: {  	[tilespmem:s29+$0x5820] =	vst v0  }
0x25: {  	[tilespmem:s29+$0x5830] =	vst v0  }
0x26: {  	[tilespmem:s29+$0x5840] =	vst v0  }
0x27: {  	[tilespmem:s29+$0x5850] =	vst v0  }
0x28: {  	[tilespmem:s29+$0x5860] =	vst v0  }
0x29: {  	[spmem:s6] =	stream.linear.scatter [tilespmem:s23], [sflag:$0x2], $0x4000, $0x38;
	[tilespmem:$0x1D800] =	vst v63  }
0x2a: {  	_ =	swait.ge [sflag:s24], $0x4000  }
0x2b: {  	[sflag:s24] =	ssyncset.done $0x0  }
0x2c: {  	[sflag:s24] =	ssyncadd.s32 $0xFFFFC000  }
0x2d: {  	[spmem:s10] =	stream.linear.scatter [tilespmem:s23], [sflag:$0x2], $0x4000, $0x38;
	[tilespmem:$0x1D800] =	vst v63  }
0x2e: {  	_ =	swait.ge [sflag:s24], $0x4000  }
0x2f: {  	[sflag:s24] =	ssyncset.done $0x0  }
0x30: {  	[sflag:s24] =	ssyncadd.s32 $0xFFFFC000  }
0x31: {  	[spmem:s11] =	stream.linear.scatter [tilespmem:s23], [sflag:$0x2], $0x4000, $0x38;
	[tilespmem:$0x1D800] =	vst v63  }
0x32: {  	_ =	swait.ge [sflag:s24], $0x4000  }
0x33: {  	[sflag:s24] =	ssyncset.done $0x0  }
0x34: {  	[sflag:s24] =	ssyncadd.s32 $0xFFFFC000  }
0x35: {  	[spmem:s12] =	stream.linear.scatter [tilespmem:s23], [sflag:$0x2], $0x4000, $0x38;
	[tilespmem:$0x1D800] =	vst v63  }
0x36: {  	_ =	swait.ge [sflag:s24], $0x4000  }
0x37: {  	[sflag:s24] =	ssyncset.done $0x0  }
0x38: {  	[sflag:s24] =	ssyncadd.s32 $0xFFFFC000  }
0x39: {  	[spmem:s13] =	stream.linear.scatter [tilespmem:s23], [sflag:$0x2], $0x4000, $0x38;
	[tilespmem:$0x1D800] =	vst v63  }
0x3a: {  	_ =	swait.ge [sflag:s24], $0x4000  }
0x3b: {  	[sflag:s24] =	ssyncset.done $0x0  }
0x3c: {  	s29 =	simm.s32 $0x0;
	[sflag:s24] =	ssyncadd.s32 $0xFFFFC000  }
0x3d: {  	[tilespmem:s29], [sflag:$0x2] =	stream.linear.gather [hbm4b:s7+s29], $0x2B00, $0x38;
	[tilespmem:$0x1D800] =	vst v63  }
0x3e: {  	_ =	swait.ge [sflag:s24], $0x2B00  }
0x3f: {  	[sflag:s24] =	ssyncset.done $0x0  }
0x40: {  	s30 =	simm.s32 $0x2C00;
	[sflag:s24] =	ssyncadd.s32 $0xFFFFD500  }
0x41: {  	[tilespmem:s30], [sflag:$0x2] =	stream.linear.gather [hbm4b:s8+s29], $0x2B00, $0x38;
	[tilespmem:$0x1D800] =	vst v63  }
0x42: {  	_ =	swait.ge [sflag:s24], $0x2B00  }
0x43: {  	[sflag:s24] =	ssyncset.done $0x0  }
0x44: {  	[sflag:s24] =	ssyncadd.s32 $0xFFFFD500  }
0x45: {  	[bflag:$0x0] =	sbarrier.arrive $0xFFFF  }
0x46: {  	[tilespmem:s23], [sflag:$0x1] =	stream.indirect.gather [hbm4b:s4+s25], $0x80, s29, s25, $0xb8;
	[tilespmem:$0x1D800] =	vst v63  }
0x47: {  	p0 =	sne.s32 s5, $0x1;
	_ =	swait.ge [sflag:s26], $0x4000  }
.Ltmp1:
0x48: {  	[sflag:s26] =	ssyncset.done $0x0;
	(pc) =	sbr.rel @!p0 .LBB2_5-.Ltmp1, $4  }
0x49: {  	[sflag:s26] =	ssyncadd.s32 $0xFFFFC000  }
0x4a: {  	[spmem:s2] =	stream.indirect.scatter.add.f32 [tilespmem:s23], [sflag:$0x2], $0x80, s30, s25, $0xb8;
	[tilespmem:$0x1D800] =	vst v63  }
0x4b: {  	_ =	swait.ge [sflag:s24], $0x4000  }
0x4c: {  	s31 =	sadd.s32 $0xFFFFFFFF, s5;
	[sflag:s24] =	ssyncset.done $0x0  }
.LBB2_4:
0x4d: {  	[sflag:s24] =	ssyncadd.s32 $0xFFFFC000;
	s29 =	sadd.s32 $0x80, s29;
	s30 =	sadd.s32 $0x80, s30  }
0x4e: {  	[tilespmem:s23], [sflag:$0x1] =	stream.indirect.gather [hbm4b:s4+s25], $0x80, s29, s25, $0xb8;
	[tilespmem:$0x1D800] =	vst v63  }
0x4f: {  	p0 =	sne.s32 s31, $0x1;
	s31 =	sadd.s32 $0xFFFFFFFF, s31;
	_ =	swait.ge [sflag:s26], $0x4000  }
.Ltmp2:
0x50: {  	[sflag:s26] =	ssyncset.done $0x0;
	(pc) =	sbr.rel @p0 .LBB2_4-.Ltmp2, $4  }
0x51: {  	[sflag:s26] =	ssyncadd.s32 $0xFFFFC000  }
0x52: {  	[spmem:s2] =	stream.indirect.scatter.add.f32 [tilespmem:s23], [sflag:$0x2], $0x80, s30, s25, $0xb8;
	[tilespmem:$0x1D800] =	vst v63  }
0x53: {  	_ =	swait.ge [sflag:s24], $0x4000  }
0x54: {  	[sflag:s24] =	ssyncset.done $0x0  }
.LBB2_5:
0x55: {  	[sflag:s24] =	ssyncadd.s32 $0xFFFFC000  }
0x56: {  	[bflag:$0x0] =	sbarrier.arrive $0xFFFF  }
0x57: {  	[tilespmem:s23], [sflag:$0x2] =	stream.linear.gather [spmem:s6], $0x4000, $0x38;
	[tilespmem:$0x1D800] =	vst v63  }
0x58: {  	_ =	swait.ge [sflag:s24], $0x4000  }
0x59: {  	[sflag:s24] =	ssyncset.done $0x0  }
0x5a: {  	[sflag:s24] =	ssyncadd.s32 $0xFFFFC000  }
0x5b: {  	[hbm4b:s14+s3] =	stream.linear.scatter [tilespmem:s23], [sflag:$0x2], $0x4000, $0x38;
	[tilespmem:$0x1D800] =	vst v63  }
0x5c: {  	_ =	swait.ge [sflag:s24], $0x4000  }
0x5d: {  	[sflag:s24] =	ssyncset.done $0x0  }
0x5e: {  	[sflag:s24] =	ssyncadd.s32 $0xFFFFC000  }
0x5f: {  	[tilespmem:s23], [sflag:$0x2] =	stream.linear.gather [spmem:s15], $0x4000, $0x38;
	[tilespmem:$0x1D800] =	vst v63  }
0x60: {  	_ =	swait.ge [sflag:s24], $0x4000  }
0x61: {  	[sflag:s24] =	ssyncset.done $0x0  }
0x62: {  	[sflag:s24] =	ssyncadd.s32 $0xFFFFC000  }
0x63: {  	[hbm4b:s16+s3] =	stream.linear.scatter [tilespmem:s23], [sflag:$0x2], $0x4000, $0x38;
	[tilespmem:$0x1D800] =	vst v63  }
0x64: {  	_ =	swait.ge [sflag:s24], $0x4000  }
0x65: {  	[sflag:s24] =	ssyncset.done $0x0  }
0x66: {  	[sflag:s24] =	ssyncadd.s32 $0xFFFFC000  }
0x67: {  	[tilespmem:s23], [sflag:$0x2] =	stream.linear.gather [spmem:s17], $0x4000, $0x38;
	[tilespmem:$0x1D800] =	vst v63  }
0x68: {  	_ =	swait.ge [sflag:s24], $0x4000  }
0x69: {  	[sflag:s24] =	ssyncset.done $0x0  }
0x6a: {  	[sflag:s24] =	ssyncadd.s32 $0xFFFFC000  }
0x6b: {  	[hbm4b:s18+s3] =	stream.linear.scatter [tilespmem:s23], [sflag:$0x2], $0x4000, $0x38;
	[tilespmem:$0x1D800] =	vst v63  }
0x6c: {  	_ =	swait.ge [sflag:s24], $0x4000  }
0x6d: {  	[sflag:s24] =	ssyncset.done $0x0  }
0x6e: {  	[sflag:s24] =	ssyncadd.s32 $0xFFFFC000  }
0x6f: {  	[tilespmem:s23], [sflag:$0x2] =	stream.linear.gather [spmem:s19], $0x4000, $0x38;
	[tilespmem:$0x1D800] =	vst v63  }
0x70: {  	_ =	swait.ge [sflag:s24], $0x4000  }
0x71: {  	[sflag:s24] =	ssyncset.done $0x0  }
0x72: {  	[sflag:s24] =	ssyncadd.s32 $0xFFFFC000  }
0x73: {  	[hbm4b:s20+s3] =	stream.linear.scatter [tilespmem:s23], [sflag:$0x2], $0x4000, $0x38;
	[tilespmem:$0x1D800] =	vst v63  }
0x74: {  	_ =	swait.ge [sflag:s24], $0x4000  }
0x75: {  	[sflag:s24] =	ssyncset.done $0x0  }
0x76: {  	[sflag:s24] =	ssyncadd.s32 $0xFFFFC000  }
0x77: {  	[tilespmem:s23], [sflag:$0x2] =	stream.linear.gather [spmem:s21], $0x4000, $0x38;
	[tilespmem:$0x1D800] =	vst v63  }
0x78: {  	s28 =	sadd.s32 $0x1, s28;
	_ =	swait.ge [sflag:s24], $0x4000  }
0x79: {  	p0 =	sne.s32 s28, s9;
	[sflag:s24] =	ssyncset.done $0x0  }
.Ltmp3:
0x7a: {  	[sflag:s24] =	ssyncadd.s32 $0xFFFFC000;
	(pc) =	sbr.rel @p0 .LBB2_1-.Ltmp3, $4  }
0x7b: {  	[hbm4b:s22+s3] =	stream.linear.scatter [tilespmem:s23], [sflag:$0x2], $0x4000, $0x38;
	[tilespmem:$0x1D800] =	vst v63  }
0x7c: {  	_ =	swait.ge [sflag:s24], $0x4000  }
0x7d: {  	[sflag:s24] =	ssyncset.done $0x0  }
0x7e: {  	[sflag:s24] =	ssyncadd.s32 $0xFFFFC000  }
0x7f: {  	_ =	sfence.sel $0x180000  }
0x80: {  	[bflag:$0x0] =	sbarrier.arrive $0xFFFF  }
0x81: {  	p0 =	sne.s32 s1, $0x0;
	_ =	strace $0x9000004D  }
0x82: {  	s0 =	sadd.s32 @!p0 $0x100000, s0;
	[bflag:$0x2] =	sbarrier.arrive $0xFFFF  }
0x83: {  	[sflag:s0] =	ssyncadd.tile.s32 @!p0 $0x1;
	_ =	shalt  }
.Lfunc_end2:
_tile_overlayer_lowered:
.L_overlay_start_2:
0x84: {  	(tag) =	ssettag $0x2  }
0x85: {  	s0 =	rddreg [dreg:$0x0];
	s2 =	stileid.u32  }
0x86: {  	s1 =	rddreg [dreg:$0x1];
	p0 =	sne.s32 s2, $0x0  }
0x87: {  	s3 =	rddreg [dreg:$0x2];
	[bflag:$0x3] =	sbarrier.arrive $0xFFFF;
	s2 =	simm.s32 @!p0 $0x1C02  }
0x88: {  	[timem:s3], [sflag:s2] =	dma.local @!p0 [hbm:s0], s1  }
0x89: {  	s0 =	simm.s32 @!p0 $0x2  }
0x8a: {  	_ =	swait.ge @!p0 [sflag:s0], s1  }
0x8b: {  	s1 =	ssub.s32 @!p0 $0x0, s1;
	[sflag:s0] =	ssyncset.done @!p0 $0x0  }
0x8c: {  	[sflag:s0] =	ssyncadd.s32 @!p0 s1  }
0x8d: {  	[bflag:$0x3] =	sbarrier.arrive $0xFFFF  }
0x8e: {  	_ =	shalt  }

// kernel: kernel.8.cloned.1.call-start
scs
__scs_entry_jumppad:
0x0: {  	(pc) =	sbr.rel $0x88, $3  }
0x1: {  	(tag) =	ssettag $0x0;
	lr =	simm.s32 $0x1  }
0x2: {  	[smem:$0x3F9B] =	sst lr;
	_ =	strace $0xD0000000  }
0x3: {  	_ = 	snop  }
0x4: {  	_ = 	snop  }
0x5: {  	_ = 	snop  }
0x6: {  	_ = 	snop  }
0x7: {  	_ = 	snop  }
__scs_overlays_trampoline_lowered:
0x8: {  	[smem:$0x3FAA] =	sst s0  }
0x9: {  	[smem:$0x3FAB] =	sst s1  }
0xa: {  	[smem:$0x3FAC] =	sst s2  }
0xb: {  	[smem:$0x3FAD] =	sst s3  }
0xc: {  	[smem:$0x3FAE] =	sst s4  }
0xd: {  	[smem:$0x3FAF] =	sst s5  }
0xe: {  	[smem:$0x3FB0] =	sst s6  }
0xf: {  	[smem:$0x3FB1] =	sst s7  }
0x10: {  	[smem:$0x3FB2] =	sst s8  }
0x11: {  	[smem:$0x3FB3] =	sst s9;
	s0 =	simm.s32 @!p0 $0x0  }
0x12: {  	s1 =	sld [smem:$0x3F99];
	s0 =	simm.s32 @p0 $0x1  }
0x13: {  	[smem:$0x3FB4] =	sst s0;
	s0 =	simm.s32 @!p1 $0x0  }
0x14: {  	s2 =	sld [smem:$0x3F98];
	s0 =	simm.s32 @p1 $0x1  }
0x15: {  	[smem:$0x3FB5] =	sst s0;
	s0 =	simm.s32 @!p2 $0x0  }
0x16: {  	s3 =	sld [smem:$0x3FDB];
	s0 =	simm.s32 @p2 $0x1  }
0x17: {  	s4 =	simm.s32 $0x1BF5;
	[smem:$0x3FB7] =	sst s0  }
0x18: {  	s0 =	sld [smem:$0x3F9A];
	_ =	swait.ge [sflag:s4], $0x0  }
0x19: {  	s7 =	sld [smem:$0x3F9B]  }
0x1a: {  	s8 =	sadd.s32 $0xFFFFE003, lr  }
0x1b: {  	s9 =	sadd.s32 $0xFFFFFEF7, lr;
	s5 =	simm.s32 $0xFFFFFFFF;
	p2 =	slt.u32 s8, $0xFFFFF086  }
0x1c: {  	p1 =	slt.u32 s9, $0xF7A;
	s5 =	simm.s32 @!p2 $0x0  }
0x1d: {  	s5 =	simm.s32 @p1 $0x1;
	p0 =	seq.s32 s7, s2  }
0x1e: {  	s7 =	smul.u32 @!p0 $0xF7A, s2;
	p2 =	seq.s32 @!p0 s5, $0x0  }
0x1f: {  	s9 =	smul.u32 $0xF7A, s1;
	s8 =	simm.s32 @!p0 $0x1BF5;
	p2 =	por !p2, p0  }
0x20: {  	[sflag:s8] =	ssyncset.s32 @!p0 $0xFFFFF086;
	s6 =	sadd.s32 @!p0 s3, s7;
	s7 =	simm.s32 @!p0 $0x108  }
0x21: {  	s3 =	sadd.s32 s3, s9;
	s6 =	sadd.s32 @!p0 $0x88, s6;
	s7 =	simm.s32 @p2 $0x1082  }
0x22: {  	[simem:s7], [sflag:s8] =	dma.local @!p0 [hbm:s6], $0xF7A  }
0x23: {  	s9 =	sor.u32 $0xD0000000, s2;
	s6 =	simm.s32 $0x108;
	_ =	swait.ge @!p0 [sflag:s8], $0x0  }
0x24: {  	s3 =	sadd.s32 $0x88, s3;
	s6 =	simm.s32 @!p1 $0x1082;
	[sflag:s4] =	ssyncset.s32 $0xFFFFF086  }
0x25: {  	[simem:s6], [sflag:s4] =	dma.local [hbm:s3], $0xF7A  }
0x26: {  	[smem:$0x3F9B] =	sst s1;
	(tag) =	ssettag s2;
	_ =	strace s9  }
0x27: {  	s1 =	sld [smem:$0x3FAB]  }
0x28: {  	s2 =	sld [smem:$0x3FAC]  }
0x29: {  	s4 =	sld [smem:$0x3FAE]  }
0x2a: {  	p0 =	seq.s32 s5, $0x0;
	s5 =	sld [smem:$0x3FAF]  }
0x2b: {  	s6 =	sld [smem:$0x3FB0]  }
0x2c: {  	s7 =	sld [smem:$0x3FB1]  }
0x2d: {  	s3 =	simm.s32 $0x108;
	s8 =	sld [smem:$0x3FB2]  }
0x2e: {  	s3 =	simm.s32 @!p0 $0x1082;
	s9 =	sld [smem:$0x3FB3]  }
0x2f: {  	lr =	sadd.s32 s0, s3;
	s0 =	sld [smem:$0x3FAA]  }
0x30: {  	s3 =	sld [smem:$0x3FAD]  }
0x31: {  	[smem:$0x3FB6] =	sst s10  }
0x32: {  	s10 =	sld [smem:$0x3FB4];
	_ =	sdelay $0x3  }
0x33: {  	p0 =	seq.s32 s10, $0x1;
	s10 =	sld [smem:$0x3FB6];
	_ =	sdelay $0x3  }
0x34: {  	[smem:$0x3FB6] =	sst s10  }
0x35: {  	s10 =	sld [smem:$0x3FB5];
	_ =	sdelay $0x3  }
0x36: {  	p1 =	seq.s32 s10, $0x1;
	s10 =	sld [smem:$0x3FB6];
	_ =	sdelay $0x3  }
0x37: {  	[smem:$0x3FB6] =	sst s10  }
0x38: {  	s10 =	sld [smem:$0x3FB7]  }
0x39: {  	_ = 	snop;
	(pc) =	sbr.ind lr, $3  }
0x3a: {  	_ = 	snop  }
0x3b: {  	_ = 	snop  }
0x3c: {  	p2 =	seq.s32 s10, $0x1;
	s10 =	sld [smem:$0x3FB6]  }
0x3d: {  	_ =	shalt  }
0x3e: {  	_ =	shalt  }
0x3f: {  	_ =	shalt  }
0x40: {  	_ =	shalt  }
0x41: {  	_ =	shalt  }
0x42: {  	_ =	shalt  }
0x43: {  	_ =	shalt  }
0x44: {  	_ =	shalt  }
0x45: {  	_ =	shalt  }
0x46: {  	_ =	shalt  }
0x47: {  	_ =	shalt  }
0x48: {  	_ =	shalt  }
0x49: {  	_ =	shalt  }
0x4a: {  	_ =	shalt  }
0x4b: {  	_ =	shalt  }
0x4c: {  	_ =	shalt  }
0x4d: {  	_ =	shalt  }
0x4e: {  	_ =	shalt  }
0x4f: {  	_ =	shalt  }
0x50: {  	_ =	shalt  }
0x51: {  	_ =	shalt  }
0x52: {  	_ =	shalt  }
0x53: {  	_ =	shalt  }
0x54: {  	_ =	shalt  }
0x55: {  	_ =	shalt  }
0x56: {  	_ =	shalt  }
0x57: {  	_ =	shalt  }
0x58: {  	_ =	shalt  }
0x59: {  	_ =	shalt  }
0x5a: {  	_ =	shalt  }
0x5b: {  	_ =	shalt  }
0x5c: {  	_ =	shalt  }
0x5d: {  	_ =	shalt  }
0x5e: {  	_ =	shalt  }
0x5f: {  	_ =	shalt  }
0x60: {  	_ =	shalt  }
0x61: {  	_ =	shalt  }
0x62: {  	_ =	shalt  }
0x63: {  	_ =	shalt  }
0x64: {  	_ =	shalt  }
0x65: {  	_ =	shalt  }
0x66: {  	_ =	shalt  }
0x67: {  	_ =	shalt  }
0x68: {  	_ =	shalt  }
0x69: {  	_ =	shalt  }
0x6a: {  	_ =	shalt  }
0x6b: {  	_ =	shalt  }
0x6c: {  	_ =	shalt  }
0x6d: {  	_ =	shalt  }
0x6e: {  	_ =	shalt  }
0x6f: {  	_ =	shalt  }
0x70: {  	_ =	shalt  }
0x71: {  	_ =	shalt  }
0x72: {  	_ =	shalt  }
0x73: {  	_ =	shalt  }
0x74: {  	_ =	shalt  }
0x75: {  	_ =	shalt  }
0x76: {  	_ =	shalt  }
0x77: {  	_ =	shalt  }
0x78: {  	_ =	shalt  }
0x79: {  	_ =	shalt  }
0x7a: {  	_ =	shalt  }
0x7b: {  	_ =	shalt  }
0x7c: {  	_ =	shalt  }
0x7d: {  	_ =	shalt  }
0x7e: {  	_ =	shalt  }
0x7f: {  	_ =	shalt  }
0x80: {  	_ =	shalt  }
0x81: {  	_ =	shalt  }
0x82: {  	_ =	shalt  }
0x83: {  	_ =	shalt  }
0x84: {  	_ =	shalt  }
0x85: {  	_ =	shalt  }
0x86: {  	_ =	shalt  }
0x87: {  	_ =	shalt  }
.Lfunc_end0:
.L_simem_size_0:
called_computation_lowered:
.L_overlay_start_0:
0x88: {  	s2 =	sld [smem:$0x3FD9]  }
0x89: {  	s3 =	sld [smem:$0x3FFE];
	_ =	sdelay $0x1  }
0x8a: {  	s1 =	srdreg.scid  }
0x8b: {  	s0 =	sand.u32 $0x1, s1  }
0x8c: {  	s16 =	sshll.u32 s0, $0xA;
	s2 =	sadd.s32 s3, s2  }
0x8d: {  	s2 =	sadd.s32 s2, s16  }
0x8e: {  	[smem:$0x3FC2] =	sst s2  }
0x8f: {  	_ = 	snop  }
0x90: {  	(tm) =	ssettm $0x1  }
0x91: {  	s17 =	sld [smem:$0x3FFB];
	_ =	sdelay $0x3  }
0x92: {  	_ =	strace s17  }
0x93: {  	s2 =	sld [smem:$0x3FFC];
	_ =	sdelay $0x3  }
0x94: {  	_ =	strace s2  }
0x95: {  	s2 =	sld [smem:$0x3FFD];
	_ =	sdelay $0x3  }
0x96: {  	_ =	strace s2  }
0x97: {  	_ =	strace $0x8FFFFFFF  }
0x98: {  	s18 =	sld [smem:$0x3FDB];
	_ =	sdelay $0x1  }
0x99: {  	s19 =	simm.s32 $_scs_section_size  }
0x9a: {  	s4 =	simm.s32 $_size__tile_overlayer_lowered;
	s5 =	simm.s32 $_tile_overlayer_lowered  }
0x9b: {  	s22 =	simm.s32 $0x1BFF;
	s21 =	sshll.u32 s5, $0x1;
	s2 =	sadd.s32 s19, s18  }
0x9c: {  	s6 =	simm.s32 $0x0;
	s20 =	sshll.u32 s4, $0x1;
	s4 =	sadd.s32 s21, s2  }
0x9d: {  	[timem:s6], [sflag:s22] =	dma.local [hbm:s4], s20  }
0x9e: {  	_ =	swait.ge [sflag:s22], s20  }
0x9f: {  	s3 =	ssub.s32 $0x0, s20;
	[sflag:s22] =	ssyncset.done $0x0  }
0xa0: {  	[sflag:s22] =	ssyncadd.s32 s3;
	_ =	sdelay $0x1  }
0xa1: {  	s23 =	simm.s32 $0x1B8B  }
0xa2: {  	_ =	swait.ge [sflag:s23], $0x1  }
0xa3: {  	[sflag:s23] =	ssyncset.done $0x0  }
0xa4: {  	s25 =	simm.s32 $0x1B8E;
	s24 =	sld [smem:$0x3FFE];
	[sflag:s23] =	ssyncadd.s32 $0xFFFFFFFF  }
0xa5: {  	s26 =	simm.s32 $execute0_lowered;
	[smem:$0x3FD2] =	sst s25  }
0xa6: {  	s4 =	sshll.u32 s26, $0x1;
	_ =	strace $0x80000046;
	[dreg:$0x1] =	wrdreg $0xFFFFFFFF  }
0xa7: {  	s28 =	simm.s32 $_size_execute0_lowered;
	s2 =	sadd.s32 s2, s4;
	[dreg:$0x0] =	wrdreg $0x0  }
0xa8: {  	s4 =	sshll.u32 s28, $0x1;
	[dreg:$0x2] =	wrdreg s2  }
0xa9: {  	[dreg:$0x3] =	wrdreg s4  }
0xaa: {  	[dreg:$0x4] =	wrdreg $0xC0  }
0xab: {  	_ =	task [dreg:s6], $0x5FFFF  }
0xac: {  	[dreg:$0x1] =	wrdreg $0xFFFFFFFF  }
0xad: {  	[dreg:$0x0] =	wrdreg $0x60  }
0xae: {  	[dreg:$0x2] =	wrdreg s24  }
0xaf: {  	[dreg:$0x3] =	wrdreg $0x2B000  }
0xb0: {  	[dreg:$0x4] =	wrdreg $0x9  }
0xb1: {  	_ =	task.clear_ibuf [dreg:s6], $0x5FFFF;
	_ =	strace $0x90000046  }
0xb2: {  	s29 =	simm.s32 $0x9;
	_ =	strace $0x80000048  }
0xb3: {  	_ =	swait.ge [sflag:s29], $0x1  }
0xb4: {  	[sflag:s29] =	ssyncadd.s32 $0xFFFFFFFF  }
0xb5: {  	_ =	strace $0x90000048  }
0xb6: {  	_ =	sfence  }
0xb7: {  	s30 =	sld [smem:$0x0];
	_ =	sdelay $0x2  }
0xb8: {  	s31 =	sshll.u32 s1, $0xD;
	s1 =	sshrl.u32 s1, $0x2  }
0xb9: {  	s3 =	sand.u32 $0x4000, s31;
	s1 =	sadd.s32 s1, s30  }
0xba: {  	s0 =	sor.u32 s3, s0;
	s1 =	sshll.u32 s1, $0x11  }
0xbb: {  	s0 =	sor.u32 s1, s0  }
0xbc: {  	s0 =	sadd.s32 $0x8F2B, s0  }
0xbd: {  	[sflag:s0] =	ssyncadd.remote.s32 $0x1  }
0xbe: {  	_ =	sfence.sel $0xFFFF  }
0xbf: {  	[dreg:$0x0] =	wrdreg $0xFFFFFFFF;
	(pc) =	sbr.abs _section_cstart, $3  }
0xc0: {  	[dreg:$0x1] =	wrdreg $0xFFFFFFFF  }
0xc1: {  	_ =	task.clear_ibuf [dreg:s6], $0x2FFFF;
	_ =	strace $0x9FFFFFFF  }
0xc2: {  	(tm) =	ssettm $0x7FFFFFFF  }
0xc3: {  	_ =	shalt  }
tec
execute0_lowered:
.L_overlay_start_1:
0x0: {  	(tag) =	ssettag $0x1  }
0x1: {  	s0 =	rddreg [dreg:$0x0]  }
0x2: {  	s2 =	rddreg [dreg:$0x1]  }
0x3: {  	s1 =	srdreg.scid;
	s6 =	stileid.u32;
	s5 =	simm.s32 $0x0  }
0x4: {  	s28 =	simm.s32 $0x2800;
	s29 =	simm.s32 $0x1;
	s30 =	simm.s32 $0x80  }
0x5: {  	s31 =	simm.s32 $0x2880;
	s1 =	sand.u32 $0x1, s1;
	s4 =	smul.u32 $0x500, s6  }
0x6: {  	s3 =	sshll.u32 s6, $0x1;
	[smem:$0x7FF] =	sst s5;
	s25 =	smul.u32 $0xA00, s6  }
0x7: {  	s3 =	sor.u32 s1, s3;
	s24 =	sshll.u32 s1, $0x7;
	_ =	strace $0x80000047  }
0x8: {  	s1 =	ssub.s32 $0x2, s1;
	s3 =	smul.u32 $0x500, s3;
	s4 =	sor.u32 s24, s4  }
0x9: {  	s26 =	sshrl.u32 s1, $0x1;
	s5 =	sshrl.u32 s25, $0x2;
	s4 =	sshrl.u32 s4, $0x3  }
0xa: {  	s1 =	ssub.s32 s1, s26;
	s3 =	sadd.s32 s3, s0;
	s0 =	sadd.s32 s4, s0  }
0xb: {  	s4 =	sadd.s32 s5, s2;
	s7 =	smax.u32 s1, $0x1;
	s1 =	simm.s32 $0x0  }
0xc: {  	s5 =	sadd.s32 $0x2200, s3;
	s6 =	sadd.s32 $0xC200, s0;
	s8 =	sadd.s32 $0x20, s4  }
0xd: {  	s9 =	sadd.s32 $0x40, s4;
	s10 =	sadd.s32 $0x60, s4;
	s11 =	sadd.s32 $0x80, s4  }
0xe: {  	s12 =	sadd.s32 $0xA0, s4;
	s13 =	sadd.s32 $0xC0, s4;
	s14 =	sadd.s32 $0xE0, s4  }
0xf: {  	s15 =	sadd.s32 $0x100, s4;
	s16 =	sadd.s32 $0x120, s4;
	s17 =	sadd.s32 $0x140, s4  }
0x10: {  	s18 =	sadd.s32 $0x160, s4;
	s19 =	sadd.s32 $0x180, s4;
	s20 =	sadd.s32 $0x1A0, s4  }
0x11: {  	s21 =	sadd.s32 $0x1C0, s4;
	s22 =	sadd.s32 $0x1E0, s4;
	s23 =	sadd.s32 $0x200, s4  }
0x12: {  	v0 =	vimm.f32 $0.0e+00;
	v1 =	vimm.f32 $1.000000000e+00;
	s24 =	sadd.s32 $0x220, s4;
	s25 =	sadd.s32 $0x240, s4;
	s26 =	sadd.s32 $0x260, s4  }
.LBB2_1:
0x13: {  	[tilespmem:$0x2800] =	vst v0  }
0x14: {  	[tilespmem:$0x2810] =	vst v0  }
0x15: {  	[tilespmem:$0x2820] =	vst v0  }
0x16: {  	[tilespmem:$0x2830] =	vst v0  }
0x17: {  	[tilespmem:$0x2840] =	vst v0  }
0x18: {  	[tilespmem:$0x2850] =	vst v0  }
0x19: {  	[tilespmem:$0x2860] =	vst v0  }
0x1a: {  	[tilespmem:$0x2870] =	vst v0  }
0x1b: {  	[spmem:s4] =	stream.linear.scatter [tilespmem:s28], [sflag:$0x1], $0x20, $0x38;
	[tilespmem:$0x2D80] =	vst v63  }
0x1c: {  	_ =	swait.ge [sflag:s29], $0x20  }
0x1d: {  	[sflag:s29] =	ssyncset.done $0x0  }
0x1e: {  	[sflag:s29] =	ssyncadd.s32 $0xFFFFFFE0  }
0x1f: {  	[spmem:s8] =	stream.linear.scatter [tilespmem:s28], [sflag:$0x1], $0x20, $0x38;
	[tilespmem:$0x2D80] =	vst v63  }
0x20: {  	_ =	swait.ge [sflag:s29], $0x20  }
0x21: {  	[sflag:s29] =	ssyncset.done $0x0  }
0x22: {  	[sflag:s29] =	ssyncadd.s32 $0xFFFFFFE0  }
0x23: {  	[spmem:s9] =	stream.linear.scatter [tilespmem:s28], [sflag:$0x1], $0x20, $0x38;
	[tilespmem:$0x2D80] =	vst v63  }
0x24: {  	_ =	swait.ge [sflag:s29], $0x20  }
0x25: {  	[sflag:s29] =	ssyncset.done $0x0  }
0x26: {  	[sflag:s29] =	ssyncadd.s32 $0xFFFFFFE0  }
0x27: {  	[spmem:s10] =	stream.linear.scatter [tilespmem:s28], [sflag:$0x1], $0x20, $0x38;
	[tilespmem:$0x2D80] =	vst v63  }
0x28: {  	_ =	swait.ge [sflag:s29], $0x20  }
0x29: {  	[sflag:s29] =	ssyncset.done $0x0  }
0x2a: {  	[sflag:s29] =	ssyncadd.s32 $0xFFFFFFE0  }
0x2b: {  	[spmem:s11] =	stream.linear.scatter [tilespmem:s28], [sflag:$0x1], $0x20, $0x38;
	[tilespmem:$0x2D80] =	vst v63  }
0x2c: {  	_ =	swait.ge [sflag:s29], $0x20  }
0x2d: {  	[sflag:s29] =	ssyncset.done $0x0  }
0x2e: {  	[sflag:s29] =	ssyncadd.s32 $0xFFFFFFE0  }
0x2f: {  	[spmem:s12] =	stream.linear.scatter [tilespmem:s28], [sflag:$0x1], $0x20, $0x38;
	[tilespmem:$0x2D80] =	vst v63  }
0x30: {  	_ =	swait.ge [sflag:s29], $0x20  }
0x31: {  	[sflag:s29] =	ssyncset.done $0x0  }
0x32: {  	[sflag:s29] =	ssyncadd.s32 $0xFFFFFFE0  }
0x33: {  	[spmem:s13] =	stream.linear.scatter [tilespmem:s28], [sflag:$0x1], $0x20, $0x38;
	[tilespmem:$0x2D80] =	vst v63  }
0x34: {  	_ =	swait.ge [sflag:s29], $0x20  }
0x35: {  	[sflag:s29] =	ssyncset.done $0x0  }
0x36: {  	[sflag:s29] =	ssyncadd.s32 $0xFFFFFFE0  }
0x37: {  	[spmem:s14] =	stream.linear.scatter [tilespmem:s28], [sflag:$0x1], $0x20, $0x38;
	[tilespmem:$0x2D80] =	vst v63  }
0x38: {  	_ =	swait.ge [sflag:s29], $0x20  }
0x39: {  	[sflag:s29] =	ssyncset.done $0x0  }
0x3a: {  	[sflag:s29] =	ssyncadd.s32 $0xFFFFFFE0  }
0x3b: {  	[spmem:s15] =	stream.linear.scatter [tilespmem:s28], [sflag:$0x1], $0x20, $0x38;
	[tilespmem:$0x2D80] =	vst v63  }
0x3c: {  	_ =	swait.ge [sflag:s29], $0x20  }
0x3d: {  	[sflag:s29] =	ssyncset.done $0x0  }
0x3e: {  	[sflag:s29] =	ssyncadd.s32 $0xFFFFFFE0  }
0x3f: {  	[spmem:s16] =	stream.linear.scatter [tilespmem:s28], [sflag:$0x1], $0x20, $0x38;
	[tilespmem:$0x2D80] =	vst v63  }
0x40: {  	_ =	swait.ge [sflag:s29], $0x20  }
0x41: {  	[sflag:s29] =	ssyncset.done $0x0  }
0x42: {  	[sflag:s29] =	ssyncadd.s32 $0xFFFFFFE0  }
0x43: {  	[spmem:s17] =	stream.linear.scatter [tilespmem:s28], [sflag:$0x1], $0x20, $0x38;
	[tilespmem:$0x2D80] =	vst v63  }
0x44: {  	_ =	swait.ge [sflag:s29], $0x20  }
0x45: {  	[sflag:s29] =	ssyncset.done $0x0  }
0x46: {  	[sflag:s29] =	ssyncadd.s32 $0xFFFFFFE0  }
0x47: {  	[spmem:s18] =	stream.linear.scatter [tilespmem:s28], [sflag:$0x1], $0x20, $0x38;
	[tilespmem:$0x2D80] =	vst v63  }
0x48: {  	_ =	swait.ge [sflag:s29], $0x20  }
0x49: {  	[sflag:s29] =	ssyncset.done $0x0  }
0x4a: {  	[sflag:s29] =	ssyncadd.s32 $0xFFFFFFE0  }
0x4b: {  	[spmem:s19] =	stream.linear.scatter [tilespmem:s28], [sflag:$0x1], $0x20, $0x38;
	[tilespmem:$0x2D80] =	vst v63  }
0x4c: {  	_ =	swait.ge [sflag:s29], $0x20  }
0x4d: {  	[sflag:s29] =	ssyncset.done $0x0  }
0x4e: {  	[sflag:s29] =	ssyncadd.s32 $0xFFFFFFE0  }
0x4f: {  	[spmem:s20] =	stream.linear.scatter [tilespmem:s28], [sflag:$0x1], $0x20, $0x38;
	[tilespmem:$0x2D80] =	vst v63  }
0x50: {  	_ =	swait.ge [sflag:s29], $0x20  }
0x51: {  	[sflag:s29] =	ssyncset.done $0x0  }
0x52: {  	[sflag:s29] =	ssyncadd.s32 $0xFFFFFFE0  }
0x53: {  	[spmem:s21] =	stream.linear.scatter [tilespmem:s28], [sflag:$0x1], $0x20, $0x38;
	[tilespmem:$0x2D80] =	vst v63  }
0x54: {  	_ =	swait.ge [sflag:s29], $0x20  }
0x55: {  	[sflag:s29] =	ssyncset.done $0x0  }
0x56: {  	[sflag:s29] =	ssyncadd.s32 $0xFFFFFFE0  }
0x57: {  	[spmem:s22] =	stream.linear.scatter [tilespmem:s28], [sflag:$0x1], $0x20, $0x38;
	[tilespmem:$0x2D80] =	vst v63  }
0x58: {  	_ =	swait.ge [sflag:s29], $0x20  }
0x59: {  	[sflag:s29] =	ssyncset.done $0x0  }
0x5a: {  	[sflag:s29] =	ssyncadd.s32 $0xFFFFFFE0  }
0x5b: {  	[spmem:s23] =	stream.linear.scatter [tilespmem:s28], [sflag:$0x1], $0x20, $0x38;
	[tilespmem:$0x2D80] =	vst v63  }
0x5c: {  	_ =	swait.ge [sflag:s29], $0x20  }
0x5d: {  	[sflag:s29] =	ssyncset.done $0x0  }
0x5e: {  	[sflag:s29] =	ssyncadd.s32 $0xFFFFFFE0  }
0x5f: {  	[spmem:s24] =	stream.linear.scatter [tilespmem:s28], [sflag:$0x1], $0x20, $0x38;
	[tilespmem:$0x2D80] =	vst v63  }
0x60: {  	_ =	swait.ge [sflag:s29], $0x20  }
0x61: {  	[sflag:s29] =	ssyncset.done $0x0  }
0x62: {  	[sflag:s29] =	ssyncadd.s32 $0xFFFFFFE0  }
0x63: {  	[spmem:s25] =	stream.linear.scatter [tilespmem:s28], [sflag:$0x1], $0x20, $0x38;
	[tilespmem:$0x2D80] =	vst v63  }
0x64: {  	_ =	swait.ge [sflag:s29], $0x20  }
0x65: {  	[sflag:s29] =	ssyncset.done $0x0  }
0x66: {  	[sflag:s29] =	ssyncadd.s32 $0xFFFFFFE0  }
0x67: {  	[spmem:s26] =	stream.linear.scatter [tilespmem:s28], [sflag:$0x1], $0x20, $0x38;
	[tilespmem:$0x2D80] =	vst v63  }
0x68: {  	_ =	swait.ge [sflag:s29], $0x20  }
0x69: {  	[sflag:s29] =	ssyncset.done $0x0  }
0x6a: {  	[sflag:s29] =	ssyncadd.s32 $0xFFFFFFE0  }
0x6b: {  	[tilespmem:$0x2800] =	vst v1  }
0x6c: {  	[tilespmem:$0x2810] =	vst v1  }
0x6d: {  	[tilespmem:$0x2820] =	vst v1  }
0x6e: {  	[tilespmem:$0x2830] =	vst v1  }
0x6f: {  	[tilespmem:$0x2840] =	vst v1  }
0x70: {  	[tilespmem:$0x2850] =	vst v1  }
0x71: {  	[tilespmem:$0x2860] =	vst v1  }
0x72: {  	s0 =	simm.s32 $0x0;
	[tilespmem:$0x2870] =	vst v1  }
0x73: {  	[tilespmem:s0], [sflag:$0x1] =	stream.linear.gather [hbm4b:s5+s0], $0x2780, $0x38;
	[tilespmem:$0x2D80] =	vst v63  }
0x74: {  	_ =	swait.ge [sflag:s29], $0x2780  }
0x75: {  	[sflag:s29] =	ssyncset.done $0x0  }
0x76: {  	[sflag:s29] =	ssyncadd.s32 $0xFFFFD880  }
0x77: {  	s3 =	simm.s32 $0x0;
	[bflag:$0x0] =	sbarrier.arrive $0xFFFF  }
0x78: {  	[spmem:s2] =	stream.indirect.scatter.add.f32 [tilespmem:s28], [sflag:$0x1], $0x1, s3, s30, $0xb8;
	[tilespmem:$0x2D80] =	vst v63  }
0x79: {  	_ =	swait.ge [sflag:s29], $0x80  }
0x7a: {  	s3 =	simm.s32 $0x200;
	[sflag:s29] =	ssyncset.done $0x0  }
.LBB2_2:
0x7b: {  	s0 =	sshra.s32 s3, $0x2;
	[sflag:s29] =	ssyncadd.s32 $0xFFFFFF80;
	p0 =	sne.s32 s3, $0x9C00  }
0x7c: {  	[spmem:s2] =	stream.indirect.scatter.add.f32 [tilespmem:s28], [sflag:$0x1], $0x1, s0, s30, $0xb8;
	[tilespmem:$0x2D80] =	vst v63  }
.Ltmp0:
0x7d: {  	_ = 	snop;
	(pc) =	sbr.rel @p0 .LBB2_2-.Ltmp0, $4  }
0x7e: {  	_ = 	snop  }
0x7f: {  	s3 =	sadd.s32 $0x200, s3  }
0x80: {  	_ =	swait.ge [sflag:s29], $0x80  }
0x81: {  	[sflag:s29] =	ssyncset.done $0x0  }
0x82: {  	[sflag:s29] =	ssyncadd.s32 $0xFFFFFF80  }
0x83: {  	[bflag:$0x0] =	sbarrier.arrive $0xFFFF  }
0x84: {  	[tilespmem:s31], [sflag:$0x1] =	stream.linear.gather [spmem:s4], $0x280, $0x38;
	[tilespmem:$0x2D80] =	vst v63  }
0x85: {  	s1 =	sadd.s32 $0x1, s1;
	_ =	swait.ge [sflag:s29], $0x280  }
0x86: {  	p0 =	sne.s32 s1, s7;
	[sflag:s29] =	ssyncset.done $0x0  }
.Ltmp1:
0x87: {  	s0 =	simm.s32 $0x100;
	[sflag:s29] =	ssyncadd.s32 $0xFFFFFD80;
	(pc) =	sbr.rel @p0 .LBB2_1-.Ltmp1, $4  }
0x88: {  	[hbm4b:s6+s30] =	stream.strided.scatter [tilespmem:s31], [sflag:$0x1], $0x280, s0, s30, $0x38;
	[tilespmem:$0x2D80] =	vst v63  }
0x89: {  	_ =	swait.ge [sflag:s29], $0x280  }
0x8a: {  	[sflag:s29] =	ssyncset.done $0x0  }
0x8b: {  	[sflag:s29] =	ssyncadd.s32 $0xFFFFFD80  }
0x8c: {  	_ =	sfence.sel $0x180000  }
0x8d: {  	[bflag:$0x0] =	sbarrier.arrive $0xFFFF  }
0x8e: {  	_ =	strace $0x90000047  }
0x8f: {  	s0 =	stileid.u32;
	[bflag:$0x2] =	sbarrier.arrive $0xFFFF  }
0x90: {  	p0 =	sne.s32 s0, $0x0;
	s0 =	rddreg [dreg:$0x2]  }
0x91: {  	s0 =	sadd.s32 @!p0 $0x100000, s0  }
0x92: {  	[sflag:s0] =	ssyncadd.tile.s32 @!p0 $0x1;
	_ =	shalt  }
.Lfunc_end2:
_tile_overlayer_lowered:
.L_overlay_start_2:
0x93: {  	(tag) =	ssettag $0x2  }
0x94: {  	s0 =	rddreg [dreg:$0x0];
	s2 =	stileid.u32  }
0x95: {  	s1 =	rddreg [dreg:$0x1];
	p0 =	sne.s32 s2, $0x0  }
0x96: {  	s3 =	rddreg [dreg:$0x2];
	[bflag:$0x3] =	sbarrier.arrive $0xFFFF;
	s2 =	simm.s32 @!p0 $0x1C01  }
0x97: {  	[timem:s3], [sflag:s2] =	dma.local @!p0 [hbm:s0], s1  }
0x98: {  	s0 =	simm.s32 @!p0 $0x1  }
0x99: {  	_ =	swait.ge @!p0 [sflag:s0], s1  }
0x9a: {  	s1 =	ssub.s32 @!p0 $0x0, s1;
	[sflag:s0] =	ssyncset.done @!p0 $0x0  }
0x9b: {  	[sflag:s0] =	ssyncadd.s32 @!p0 s1  }
0x9c: {  	[bflag:$0x3] =	sbarrier.arrive $0xFFFF  }
0x9d: {  	_ =	shalt  }

</sc_bundles>
